<compile_context>
chip_gen: v7x
topology: tpu7x:2x2x1
jax: 0.10.2.dev20260603
libtpu: 0.0.44.dev20260713+nightly
codegen_flags: <defaults>
</compile_context>

<pallas_src>
import functools

import jax
import jax.numpy as jnp
from jax import lax
from jax.experimental import pallas as pl
from jax.experimental.pallas import tpu as pltpu
from jax.experimental.pallas import tpu_sc as plsc

_MAX_SIZE = 32
_L = 16


def _sc_gather_body(emb_hbm, rows_hbm, idx2, rows_v, gsem, *, W):
    half = W // 2

    @pl.when((lax.axis_index("c") == 0) & (lax.axis_index("s") == 0))
    def _():
        for r in range(2):
            for t in range(half // _L):
                base = r * half + t * _L
                iv = lax.iota(jnp.int32, _L) + (base - W // 2)
                idx2[r, pl.ds(t * _L, _L)] = (
                    jnp.clip(iv, -_MAX_SIZE, _MAX_SIZE) + _MAX_SIZE
                )

        c1 = pltpu.async_copy(
            emb_hbm.at[idx2.at[0]], rows_v.at[pl.ds(0, half)], gsem
        )
        c2 = pltpu.async_copy(
            emb_hbm.at[idx2.at[1]], rows_v.at[pl.ds(half, half)], gsem
        )
        c1.wait()
        c2.wait()
        pltpu.sync_copy(rows_v, rows_hbm)


def _pos_kernel(rows_w_ref, rows_h_ref, out_ref, *, th, w, c):
    rows_w = rows_w_ref[...][:, :c]
    rows_h = rows_h_ref[...][:, :c]
    for j in range(th):
        out_ref[0, pl.ds(j * w, w), :] = rows_h[j : j + 1, :] + rows_w


def kernel(feature_map, embedding):
    B, C, H, W = feature_map.shape
    mesh = plsc.VectorSubcoreMesh(
        core_axis_name="c", subcore_axis_name="s", num_cores=1
    )
    sc_gather = pl.kernel(
        functools.partial(_sc_gather_body, W=W),
        out_type=jax.ShapeDtypeStruct((W, 128), jnp.float32),
        mesh=mesh,
        scratch_types=[
            pltpu.VMEM((2, W // 2), jnp.int32),
            pltpu.VMEM((W, 128), jnp.float32),
            pltpu.SemaphoreType.DMA,
        ],
    )
    rows128 = sc_gather(jnp.pad(embedding, ((0, 0), (0, 128 - C))))

    TH = 32
    pos = pl.pallas_call(
        functools.partial(_pos_kernel, th=TH, w=W, c=C),
        grid=(H // TH,),
        in_specs=[
            pl.BlockSpec((W, 128), lambda i: (0, 0)),
            pl.BlockSpec((TH, 128), lambda i: (i, 0)),
        ],
        out_specs=pl.BlockSpec((1, TH * W, C), lambda i: (0, i, 0)),
        out_shape=jax.ShapeDtypeStruct((1, H * W, C), jnp.float32),
        compiler_params=pltpu.CompilerParams(
            dimension_semantics=("parallel",),
        ),
    )(rows128, rows128)
    return jnp.broadcast_to(pos, (B, H * W, C))

# --- scband reference (transcript-rebuilt; emitter-appended) ---
"""Pipeline reference for scband-relative-position-encoder-16037407883699 (READ-ONLY COPY).

The authoritative reference and input builder live on the scoring server;
editing this copy changes nothing except your own understanding.
"""

import jax, jax.numpy as jnp
import numpy as np

MAX_SIZE = 32
EMBED_DIM = 96

def setup_inputs(seed: int = 0) -> dict:
    key = jax.random.key(seed)
    feature_map = jax.random.normal(jax.random.fold_in(key, 0), (4, 96, 224, 224), dtype=jnp.float32)
    embedding = jax.random.normal(jax.random.fold_in(key, 1), (2 * MAX_SIZE + 1, EMBED_DIM), dtype=jnp.float32) * 0.02
    return {"feature_map": feature_map, "embedding": embedding}

def reference(feature_map, embedding):
    B, C, H, W = feature_map.shape
    h_coords = jnp.arange(H, dtype=jnp.float32) - H // 2
    w_coords = jnp.arange(W, dtype=jnp.float32) - W // 2
    h_grid, w_grid = jnp.meshgrid(h_coords, w_coords, indexing='ij')
    h_idx = jnp.clip(h_grid, -MAX_SIZE, MAX_SIZE).astype(jnp.int32) + MAX_SIZE
    w_idx = jnp.clip(w_grid, -MAX_SIZE, MAX_SIZE).astype(jnp.int32) + MAX_SIZE
    pos_embed = jnp.take(embedding, h_idx, axis=0) + jnp.take(embedding, w_idx, axis=0)
    pos_embed = pos_embed.reshape(1, H * W, C)
    return jnp.broadcast_to(pos_embed, (B, H * W, C))

if __name__ == "__main__":
    import jax
    _d = setup_inputs()
    print(jax.jit(kernel)(*tuple(_d.values())))

</pallas_src>

<mosaic_0001>
#map = affine_map<(d0, d1) -> (0, 0)>
module attributes {stable_mosaic.version = 14 : i64} {
  func.func @_sc_gather_body(%arg0: i32, %arg1: i32, %arg2: memref<65x128xf32, #tpu.memory_space<hbm>>, %arg3: memref<224x128xf32, #tpu.memory_space<hbm>>, %arg4: memref<2x112xi32, #tpu.memory_space<vmem>>, %arg5: memref<224x128xf32, #tpu.memory_space<vmem>>, %arg6: memref<!tpu.dma_semaphore, #tpu.memory_space<semaphore_mem>>) attributes {dimension_semantics = [#tpu.dimension_semantics<core_parallel>, #tpu.dimension_semantics<subcore_parallel>], iteration_bounds = array<i64: 1, 16>, scalar_prefetch = 0 : i64, scratch_operands = 3 : i64, tpu.core_type = #tpu.core_type<sc_vector_subcore>, window_params = [{transform_indices = #map}, {transform_indices = #map}]} {
    %eq3A = arith.constant 0 : i32
    %eq3A_0 = arith.cmpi eq, %arg0, %eq3A : i32
    %eq3A_1 = arith.constant 0 : i32
    %eq3A_2 = arith.cmpi eq, %arg1, %eq3A_1 : i32
    %and3A = arith.andi %eq3A_0, %eq3A_2 : i1
    %convert_element_type3A = arith.extui %and3A : i1 to i32
    %cond3A = arith.constant 0 : i32
    %cond3A_3 = arith.cmpi ne, %convert_element_type3A, %cond3A : i32
    scf.if %cond3A_3 {
      %iota3A = tpu.iota {dimensions = array<i32: 0>} : vector<16xi32>
      %add3A = arith.constant -112 : i32
      %add3A_4 = vector.broadcast %add3A : i32 to vector<16xi32>
      %add3A_5 = arith.addi %iota3A, %add3A_4 : vector<16xi32>
      %jit3A = arith.constant -32 : i32
      %jit3A_6 = arith.constant 32 : i32
      %max3A = vector.broadcast %jit3A : i32 to vector<16xi32>
      %max3A_7 = arith.maxsi %max3A, %add3A_5 : vector<16xi32>
      %min3A = vector.broadcast %jit3A_6 : i32 to vector<16xi32>
      %min3A_8 = arith.minsi %min3A, %max3A_7 : vector<16xi32>
      %add3A_9 = arith.constant 32 : i32
      %add3A_10 = vector.broadcast %add3A_9 : i32 to vector<16xi32>
      %add3A_11 = arith.addi %min3A_8, %add3A_10 : vector<16xi32>
      %swap3A = arith.constant 0 : i32
      %swap3A_12 = arith.index_cast %swap3A : i32 to index
      %swap3A_13 = arith.constant 0 : index
      %swap3A_14 = tpu.vector_load %arg4[%swap3A_12, %swap3A_13] {strides = array<i32>} : memref<2x112xi32, #tpu.memory_space<vmem>>, vector<1x16xi32>,
      %swap3A_15 = vector.shape_cast %swap3A_14 : vector<1x16xi32> to vector<16xi32>
      %swap3A_16 = vector.shape_cast %add3A_11 : vector<16xi32> to vector<1x16xi32>
      tpu.vector_store %arg4[%swap3A_12, %swap3A_13], %swap3A_16 {strides = array<i32>} : memref<2x112xi32, #tpu.memory_space<vmem>>, vector<1x16xi32>,
      %iota3A_17 = tpu.iota {dimensions = array<i32: 0>} : vector<16xi32>
      %add3A_18 = arith.constant -96 : i32
      %add3A_19 = vector.broadcast %add3A_18 : i32 to vector<16xi32>
      %add3A_20 = arith.addi %iota3A_17, %add3A_19 : vector<16xi32>
      %jit3A_21 = arith.constant -32 : i32
      %jit3A_22 = arith.constant 32 : i32
      %max3A_23 = vector.broadcast %jit3A_21 : i32 to vector<16xi32>
      %max3A_24 = arith.maxsi %max3A_23, %add3A_20 : vector<16xi32>
      %min3A_25 = vector.broadcast %jit3A_22 : i32 to vector<16xi32>
      %min3A_26 = arith.minsi %min3A_25, %max3A_24 : vector<16xi32>
      %add3A_27 = arith.constant 32 : i32
      %add3A_28 = vector.broadcast %add3A_27 : i32 to vector<16xi32>
      %add3A_29 = arith.addi %min3A_26, %add3A_28 : vector<16xi32>
      %swap3A_30 = arith.constant 0 : i32
      %swap3A_31 = arith.index_cast %swap3A_30 : i32 to index
      %swap3A_32 = arith.constant 16 : index
      %swap3A_33 = tpu.vector_load %arg4[%swap3A_31, %swap3A_32] {strides = array<i32>} : memref<2x112xi32, #tpu.memory_space<vmem>>, vector<1x16xi32>,
      %swap3A_34 = vector.shape_cast %swap3A_33 : vector<1x16xi32> to vector<16xi32>
      %swap3A_35 = vector.shape_cast %add3A_29 : vector<16xi32> to vector<1x16xi32>
      tpu.vector_store %arg4[%swap3A_31, %swap3A_32], %swap3A_35 {strides = array<i32>} : memref<2x112xi32, #tpu.memory_space<vmem>>, vector<1x16xi32>,
      %iota3A_36 = tpu.iota {dimensions = array<i32: 0>} : vector<16xi32>
      %add3A_37 = arith.constant -80 : i32
      %add3A_38 = vector.broadcast %add3A_37 : i32 to vector<16xi32>
      %add3A_39 = arith.addi %iota3A_36, %add3A_38 : vector<16xi32>
      %jit3A_40 = arith.constant -32 : i32
      %jit3A_41 = arith.constant 32 : i32
      %max3A_42 = vector.broadcast %jit3A_40 : i32 to vector<16xi32>
      %max3A_43 = arith.maxsi %max3A_42, %add3A_39 : vector<16xi32>
      %min3A_44 = vector.broadcast %jit3A_41 : i32 to vector<16xi32>
      %min3A_45 = arith.minsi %min3A_44, %max3A_43 : vector<16xi32>
      %add3A_46 = arith.constant 32 : i32
      %add3A_47 = vector.broadcast %add3A_46 : i32 to vector<16xi32>
      %add3A_48 = arith.addi %min3A_45, %add3A_47 : vector<16xi32>
      %swap3A_49 = arith.constant 0 : i32
      %swap3A_50 = arith.index_cast %swap3A_49 : i32 to index
      %swap3A_51 = arith.constant 32 : index
      %swap3A_52 = tpu.vector_load %arg4[%swap3A_50, %swap3A_51] {strides = array<i32>} : memref<2x112xi32, #tpu.memory_space<vmem>>, vector<1x16xi32>,
      %swap3A_53 = vector.shape_cast %swap3A_52 : vector<1x16xi32> to vector<16xi32>
      %swap3A_54 = vector.shape_cast %add3A_48 : vector<16xi32> to vector<1x16xi32>
      tpu.vector_store %arg4[%swap3A_50, %swap3A_51], %swap3A_54 {strides = array<i32>} : memref<2x112xi32, #tpu.memory_space<vmem>>, vector<1x16xi32>,
      %iota3A_55 = tpu.iota {dimensions = array<i32: 0>} : vector<16xi32>
      %add3A_56 = arith.constant -64 : i32
      %add3A_57 = vector.broadcast %add3A_56 : i32 to vector<16xi32>
      %add3A_58 = arith.addi %iota3A_55, %add3A_57 : vector<16xi32>
      %jit3A_59 = arith.constant -32 : i32
      %jit3A_60 = arith.constant 32 : i32
      %max3A_61 = vector.broadcast %jit3A_59 : i32 to vector<16xi32>
      %max3A_62 = arith.maxsi %max3A_61, %add3A_58 : vector<16xi32>
      %min3A_63 = vector.broadcast %jit3A_60 : i32 to vector<16xi32>
      %min3A_64 = arith.minsi %min3A_63, %max3A_62 : vector<16xi32>
      %add3A_65 = arith.constant 32 : i32
      %add3A_66 = vector.broadcast %add3A_65 : i32 to vector<16xi32>
      %add3A_67 = arith.addi %min3A_64, %add3A_66 : vector<16xi32>
      %swap3A_68 = arith.constant 0 : i32
      %swap3A_69 = arith.index_cast %swap3A_68 : i32 to index
      %swap3A_70 = arith.constant 48 : index
      %swap3A_71 = tpu.vector_load %arg4[%swap3A_69, %swap3A_70] {strides = array<i32>} : memref<2x112xi32, #tpu.memory_space<vmem>>, vector<1x16xi32>,
      %swap3A_72 = vector.shape_cast %swap3A_71 : vector<1x16xi32> to vector<16xi32>
      %swap3A_73 = vector.shape_cast %add3A_67 : vector<16xi32> to vector<1x16xi32>
      tpu.vector_store %arg4[%swap3A_69, %swap3A_70], %swap3A_73 {strides = array<i32>} : memref<2x112xi32, #tpu.memory_space<vmem>>, vector<1x16xi32>,
      %iota3A_74 = tpu.iota {dimensions = array<i32: 0>} : vector<16xi32>
      %add3A_75 = arith.constant -48 : i32
      %add3A_76 = vector.broadcast %add3A_75 : i32 to vector<16xi32>
      %add3A_77 = arith.addi %iota3A_74, %add3A_76 : vector<16xi32>
      %jit3A_78 = arith.constant -32 : i32
      %jit3A_79 = arith.constant 32 : i32
      %max3A_80 = vector.broadcast %jit3A_78 : i32 to vector<16xi32>
      %max3A_81 = arith.maxsi %max3A_80, %add3A_77 : vector<16xi32>
      %min3A_82 = vector.broadcast %jit3A_79 : i32 to vector<16xi32>
      %min3A_83 = arith.minsi %min3A_82, %max3A_81 : vector<16xi32>
      %add3A_84 = arith.constant 32 : i32
      %add3A_85 = vector.broadcast %add3A_84 : i32 to vector<16xi32>
      %add3A_86 = arith.addi %min3A_83, %add3A_85 : vector<16xi32>
      %swap3A_87 = arith.constant 0 : i32
      %swap3A_88 = arith.index_cast %swap3A_87 : i32 to index
      %swap3A_89 = arith.constant 64 : index
      %swap3A_90 = tpu.vector_load %arg4[%swap3A_88, %swap3A_89] {strides = array<i32>} : memref<2x112xi32, #tpu.memory_space<vmem>>, vector<1x16xi32>,
      %swap3A_91 = vector.shape_cast %swap3A_90 : vector<1x16xi32> to vector<16xi32>
      %swap3A_92 = vector.shape_cast %add3A_86 : vector<16xi32> to vector<1x16xi32>
      tpu.vector_store %arg4[%swap3A_88, %swap3A_89], %swap3A_92 {strides = array<i32>} : memref<2x112xi32, #tpu.memory_space<vmem>>, vector<1x16xi32>,
      %iota3A_93 = tpu.iota {dimensions = array<i32: 0>} : vector<16xi32>
      %add3A_94 = arith.constant -32 : i32
      %add3A_95 = vector.broadcast %add3A_94 : i32 to vector<16xi32>
      %add3A_96 = arith.addi %iota3A_93, %add3A_95 : vector<16xi32>
      %jit3A_97 = arith.constant -32 : i32
      %jit3A_98 = arith.constant 32 : i32
      %max3A_99 = vector.broadcast %jit3A_97 : i32 to vector<16xi32>
      %max3A_100 = arith.maxsi %max3A_99, %add3A_96 : vector<16xi32>
      %min3A_101 = vector.broadcast %jit3A_98 : i32 to vector<16xi32>
      %min3A_102 = arith.minsi %min3A_101, %max3A_100 : vector<16xi32>
      %add3A_103 = arith.constant 32 : i32
      %add3A_104 = vector.broadcast %add3A_103 : i32 to vector<16xi32>
      %add3A_105 = arith.addi %min3A_102, %add3A_104 : vector<16xi32>
      %swap3A_106 = arith.constant 0 : i32
      %swap3A_107 = arith.index_cast %swap3A_106 : i32 to index
      %swap3A_108 = arith.constant 80 : index
      %swap3A_109 = tpu.vector_load %arg4[%swap3A_107, %swap3A_108] {strides = array<i32>} : memref<2x112xi32, #tpu.memory_space<vmem>>, vector<1x16xi32>,
      %swap3A_110 = vector.shape_cast %swap3A_109 : vector<1x16xi32> to vector<16xi32>
      %swap3A_111 = vector.shape_cast %add3A_105 : vector<16xi32> to vector<1x16xi32>
      tpu.vector_store %arg4[%swap3A_107, %swap3A_108], %swap3A_111 {strides = array<i32>} : memref<2x112xi32, #tpu.memory_space<vmem>>, vector<1x16xi32>,
      %iota3A_112 = tpu.iota {dimensions = array<i32: 0>} : vector<16xi32>
      %add3A_113 = arith.constant -16 : i32
      %add3A_114 = vector.broadcast %add3A_113 : i32 to vector<16xi32>
      %add3A_115 = arith.addi %iota3A_112, %add3A_114 : vector<16xi32>
      %jit3A_116 = arith.constant -32 : i32
      %jit3A_117 = arith.constant 32 : i32
      %max3A_118 = vector.broadcast %jit3A_116 : i32 to vector<16xi32>
      %max3A_119 = arith.maxsi %max3A_118, %add3A_115 : vector<16xi32>
      %min3A_120 = vector.broadcast %jit3A_117 : i32 to vector<16xi32>
      %min3A_121 = arith.minsi %min3A_120, %max3A_119 : vector<16xi32>
      %add3A_122 = arith.constant 32 : i32
      %add3A_123 = vector.broadcast %add3A_122 : i32 to vector<16xi32>
      %add3A_124 = arith.addi %min3A_121, %add3A_123 : vector<16xi32>
      %swap3A_125 = arith.constant 0 : i32
      %swap3A_126 = arith.index_cast %swap3A_125 : i32 to index
      %swap3A_127 = arith.constant 96 : index
      %swap3A_128 = tpu.vector_load %arg4[%swap3A_126, %swap3A_127] {strides = array<i32>} : memref<2x112xi32, #tpu.memory_space<vmem>>, vector<1x16xi32>,
      %swap3A_129 = vector.shape_cast %swap3A_128 : vector<1x16xi32> to vector<16xi32>
      %swap3A_130 = vector.shape_cast %add3A_124 : vector<16xi32> to vector<1x16xi32>
      tpu.vector_store %arg4[%swap3A_126, %swap3A_127], %swap3A_130 {strides = array<i32>} : memref<2x112xi32, #tpu.memory_space<vmem>>, vector<1x16xi32>,
      %iota3A_131 = tpu.iota {dimensions = array<i32: 0>} : vector<16xi32>
      %add3A_132 = arith.constant 0 : i32
      %add3A_133 = vector.broadcast %add3A_132 : i32 to vector<16xi32>
      %add3A_134 = arith.addi %iota3A_131, %add3A_133 : vector<16xi32>
      %jit3A_135 = arith.constant -32 : i32
      %jit3A_136 = arith.constant 32 : i32
      %max3A_137 = vector.broadcast %jit3A_135 : i32 to vector<16xi32>
      %max3A_138 = arith.maxsi %max3A_137, %add3A_134 : vector<16xi32>
      %min3A_139 = vector.broadcast %jit3A_136 : i32 to vector<16xi32>
      %min3A_140 = arith.minsi %min3A_139, %max3A_138 : vector<16xi32>
      %add3A_141 = arith.constant 32 : i32
      %add3A_142 = vector.broadcast %add3A_141 : i32 to vector<16xi32>
      %add3A_143 = arith.addi %min3A_140, %add3A_142 : vector<16xi32>
      %swap3A_144 = arith.constant 1 : i32
      %swap3A_145 = arith.index_cast %swap3A_144 : i32 to index
      %swap3A_146 = arith.constant 0 : index
      %swap3A_147 = tpu.vector_load %arg4[%swap3A_145, %swap3A_146] {strides = array<i32>} : memref<2x112xi32, #tpu.memory_space<vmem>>, vector<1x16xi32>,
      %swap3A_148 = vector.shape_cast %swap3A_147 : vector<1x16xi32> to vector<16xi32>
      %swap3A_149 = vector.shape_cast %add3A_143 : vector<16xi32> to vector<1x16xi32>
      tpu.vector_store %arg4[%swap3A_145, %swap3A_146], %swap3A_149 {strides = array<i32>} : memref<2x112xi32, #tpu.memory_space<vmem>>, vector<1x16xi32>,
      %iota3A_150 = tpu.iota {dimensions = array<i32: 0>} : vector<16xi32>
      %add3A_151 = arith.constant 16 : i32
      %add3A_152 = vector.broadcast %add3A_151 : i32 to vector<16xi32>
      %add3A_153 = arith.addi %iota3A_150, %add3A_152 : vector<16xi32>
      %jit3A_154 = arith.constant -32 : i32
      %jit3A_155 = arith.constant 32 : i32
      %max3A_156 = vector.broadcast %jit3A_154 : i32 to vector<16xi32>
      %max3A_157 = arith.maxsi %max3A_156, %add3A_153 : vector<16xi32>
      %min3A_158 = vector.broadcast %jit3A_155 : i32 to vector<16xi32>
      %min3A_159 = arith.minsi %min3A_158, %max3A_157 : vector<16xi32>
      %add3A_160 = arith.constant 32 : i32
      %add3A_161 = vector.broadcast %add3A_160 : i32 to vector<16xi32>
      %add3A_162 = arith.addi %min3A_159, %add3A_161 : vector<16xi32>
      %swap3A_163 = arith.constant 1 : i32
      %swap3A_164 = arith.index_cast %swap3A_163 : i32 to index
      %swap3A_165 = arith.constant 16 : index
      %swap3A_166 = tpu.vector_load %arg4[%swap3A_164, %swap3A_165] {strides = array<i32>} : memref<2x112xi32, #tpu.memory_space<vmem>>, vector<1x16xi32>,
      %swap3A_167 = vector.shape_cast %swap3A_166 : vector<1x16xi32> to vector<16xi32>
      %swap3A_168 = vector.shape_cast %add3A_162 : vector<16xi32> to vector<1x16xi32>
      tpu.vector_store %arg4[%swap3A_164, %swap3A_165], %swap3A_168 {strides = array<i32>} : memref<2x112xi32, #tpu.memory_space<vmem>>, vector<1x16xi32>,
      %iota3A_169 = tpu.iota {dimensions = array<i32: 0>} : vector<16xi32>
      %add3A_170 = arith.constant 32 : i32
      %add3A_171 = vector.broadcast %add3A_170 : i32 to vector<16xi32>
      %add3A_172 = arith.addi %iota3A_169, %add3A_171 : vector<16xi32>
      %jit3A_173 = arith.constant -32 : i32
      %jit3A_174 = arith.constant 32 : i32
      %max3A_175 = vector.broadcast %jit3A_173 : i32 to vector<16xi32>
      %max3A_176 = arith.maxsi %max3A_175, %add3A_172 : vector<16xi32>
      %min3A_177 = vector.broadcast %jit3A_174 : i32 to vector<16xi32>
      %min3A_178 = arith.minsi %min3A_177, %max3A_176 : vector<16xi32>
      %add3A_179 = arith.constant 32 : i32
      %add3A_180 = vector.broadcast %add3A_179 : i32 to vector<16xi32>
      %add3A_181 = arith.addi %min3A_178, %add3A_180 : vector<16xi32>
      %swap3A_182 = arith.constant 1 : i32
      %swap3A_183 = arith.index_cast %swap3A_182 : i32 to index
      %swap3A_184 = arith.constant 32 : index
      %swap3A_185 = tpu.vector_load %arg4[%swap3A_183, %swap3A_184] {strides = array<i32>} : memref<2x112xi32, #tpu.memory_space<vmem>>, vector<1x16xi32>,
      %swap3A_186 = vector.shape_cast %swap3A_185 : vector<1x16xi32> to vector<16xi32>
      %swap3A_187 = vector.shape_cast %add3A_181 : vector<16xi32> to vector<1x16xi32>
      tpu.vector_store %arg4[%swap3A_183, %swap3A_184], %swap3A_187 {strides = array<i32>} : memref<2x112xi32, #tpu.memory_space<vmem>>, vector<1x16xi32>,
      %iota3A_188 = tpu.iota {dimensions = array<i32: 0>} : vector<16xi32>
      %add3A_189 = arith.constant 48 : i32
      %add3A_190 = vector.broadcast %add3A_189 : i32 to vector<16xi32>
      %add3A_191 = arith.addi %iota3A_188, %add3A_190 : vector<16xi32>
      %jit3A_192 = arith.constant -32 : i32
      %jit3A_193 = arith.constant 32 : i32
      %max3A_194 = vector.broadcast %jit3A_192 : i32 to vector<16xi32>
      %max3A_195 = arith.maxsi %max3A_194, %add3A_191 : vector<16xi32>
      %min3A_196 = vector.broadcast %jit3A_193 : i32 to vector<16xi32>
      %min3A_197 = arith.minsi %min3A_196, %max3A_195 : vector<16xi32>
      %add3A_198 = arith.constant 32 : i32
      %add3A_199 = vector.broadcast %add3A_198 : i32 to vector<16xi32>
      %add3A_200 = arith.addi %min3A_197, %add3A_199 : vector<16xi32>
      %swap3A_201 = arith.constant 1 : i32
      %swap3A_202 = arith.index_cast %swap3A_201 : i32 to index
      %swap3A_203 = arith.constant 48 : index
      %swap3A_204 = tpu.vector_load %arg4[%swap3A_202, %swap3A_203] {strides = array<i32>} : memref<2x112xi32, #tpu.memory_space<vmem>>, vector<1x16xi32>,
      %swap3A_205 = vector.shape_cast %swap3A_204 : vector<1x16xi32> to vector<16xi32>
      %swap3A_206 = vector.shape_cast %add3A_200 : vector<16xi32> to vector<1x16xi32>
      tpu.vector_store %arg4[%swap3A_202, %swap3A_203], %swap3A_206 {strides = array<i32>} : memref<2x112xi32, #tpu.memory_space<vmem>>, vector<1x16xi32>,
      %iota3A_207 = tpu.iota {dimensions = array<i32: 0>} : vector<16xi32>
      %add3A_208 = arith.constant 64 : i32
      %add3A_209 = vector.broadcast %add3A_208 : i32 to vector<16xi32>
      %add3A_210 = arith.addi %iota3A_207, %add3A_209 : vector<16xi32>
      %jit3A_211 = arith.constant -32 : i32
      %jit3A_212 = arith.constant 32 : i32
      %max3A_213 = vector.broadcast %jit3A_211 : i32 to vector<16xi32>
      %max3A_214 = arith.maxsi %max3A_213, %add3A_210 : vector<16xi32>
      %min3A_215 = vector.broadcast %jit3A_212 : i32 to vector<16xi32>
      %min3A_216 = arith.minsi %min3A_215, %max3A_214 : vector<16xi32>
      %add3A_217 = arith.constant 32 : i32
      %add3A_218 = vector.broadcast %add3A_217 : i32 to vector<16xi32>
      %add3A_219 = arith.addi %min3A_216, %add3A_218 : vector<16xi32>
      %swap3A_220 = arith.constant 1 : i32
      %swap3A_221 = arith.index_cast %swap3A_220 : i32 to index
      %swap3A_222 = arith.constant 64 : index
      %swap3A_223 = tpu.vector_load %arg4[%swap3A_221, %swap3A_222] {strides = array<i32>} : memref<2x112xi32, #tpu.memory_space<vmem>>, vector<1x16xi32>,
      %swap3A_224 = vector.shape_cast %swap3A_223 : vector<1x16xi32> to vector<16xi32>
      %swap3A_225 = vector.shape_cast %add3A_219 : vector<16xi32> to vector<1x16xi32>
      tpu.vector_store %arg4[%swap3A_221, %swap3A_222], %swap3A_225 {strides = array<i32>} : memref<2x112xi32, #tpu.memory_space<vmem>>, vector<1x16xi32>,
      %iota3A_226 = tpu.iota {dimensions = array<i32: 0>} : vector<16xi32>
      %add3A_227 = arith.constant 80 : i32
      %add3A_228 = vector.broadcast %add3A_227 : i32 to vector<16xi32>
      %add3A_229 = arith.addi %iota3A_226, %add3A_228 : vector<16xi32>
      %jit3A_230 = arith.constant -32 : i32
      %jit3A_231 = arith.constant 32 : i32
      %max3A_232 = vector.broadcast %jit3A_230 : i32 to vector<16xi32>
      %max3A_233 = arith.maxsi %max3A_232, %add3A_229 : vector<16xi32>
      %min3A_234 = vector.broadcast %jit3A_231 : i32 to vector<16xi32>
      %min3A_235 = arith.minsi %min3A_234, %max3A_233 : vector<16xi32>
      %add3A_236 = arith.constant 32 : i32
      %add3A_237 = vector.broadcast %add3A_236 : i32 to vector<16xi32>
      %add3A_238 = arith.addi %min3A_235, %add3A_237 : vector<16xi32>
      %swap3A_239 = arith.constant 1 : i32
      %swap3A_240 = arith.index_cast %swap3A_239 : i32 to index
      %swap3A_241 = arith.constant 80 : index
      %swap3A_242 = tpu.vector_load %arg4[%swap3A_240, %swap3A_241] {strides = array<i32>} : memref<2x112xi32, #tpu.memory_space<vmem>>, vector<1x16xi32>,
      %swap3A_243 = vector.shape_cast %swap3A_242 : vector<1x16xi32> to vector<16xi32>
      %swap3A_244 = vector.shape_cast %add3A_238 : vector<16xi32> to vector<1x16xi32>
      tpu.vector_store %arg4[%swap3A_240, %swap3A_241], %swap3A_244 {strides = array<i32>} : memref<2x112xi32, #tpu.memory_space<vmem>>, vector<1x16xi32>,
      %iota3A_245 = tpu.iota {dimensions = array<i32: 0>} : vector<16xi32>
      %add3A_246 = arith.constant 96 : i32
      %add3A_247 = vector.broadcast %add3A_246 : i32 to vector<16xi32>
      %add3A_248 = arith.addi %iota3A_245, %add3A_247 : vector<16xi32>
      %jit3A_249 = arith.constant -32 : i32
      %jit3A_250 = arith.constant 32 : i32
      %max3A_251 = vector.broadcast %jit3A_249 : i32 to vector<16xi32>
      %max3A_252 = arith.maxsi %max3A_251, %add3A_248 : vector<16xi32>
      %min3A_253 = vector.broadcast %jit3A_250 : i32 to vector<16xi32>
      %min3A_254 = arith.minsi %min3A_253, %max3A_252 : vector<16xi32>
      %add3A_255 = arith.constant 32 : i32
      %add3A_256 = vector.broadcast %add3A_255 : i32 to vector<16xi32>
      %add3A_257 = arith.addi %min3A_254, %add3A_256 : vector<16xi32>
      %swap3A_258 = arith.constant 1 : i32
      %swap3A_259 = arith.index_cast %swap3A_258 : i32 to index
      %swap3A_260 = arith.constant 96 : index
      %swap3A_261 = tpu.vector_load %arg4[%swap3A_259, %swap3A_260] {strides = array<i32>} : memref<2x112xi32, #tpu.memory_space<vmem>>, vector<1x16xi32>,
      %swap3A_262 = vector.shape_cast %swap3A_261 : vector<1x16xi32> to vector<16xi32>
      %swap3A_263 = vector.shape_cast %add3A_257 : vector<16xi32> to vector<1x16xi32>
      tpu.vector_store %arg4[%swap3A_259, %swap3A_260], %swap3A_263 {strides = array<i32>} : memref<2x112xi32, #tpu.memory_space<vmem>>, vector<1x16xi32>,
      %dma_start3A = arith.constant 0 : i32
      %dma_start3A_264 = arith.constant 0 : i32
      %dma_start3A_265 = arith.constant 0 : i32
      %dma_start3A_266 = tpu.memref_slice %arg5[%dma_start3A_264, %dma_start3A_265] : memref<224x128xf32, #tpu.memory_space<vmem>> -> memref<112x128xf32, #tpu.memory_space<vmem>>
      %dma_start3A_267 = arith.constant 0 : i32
      %dma_start3A_268 = tpu.memref_slice %arg4[%dma_start3A, %dma_start3A_267] : memref<2x112xi32, #tpu.memory_space<vmem>> -> memref<1x112xi32, #tpu.memory_space<vmem>>
      %dma_start3A_269 = tpu.memref_squeeze %dma_start3A_268 : memref<1x112xi32, #tpu.memory_space<vmem>> -> memref<112xi32, #tpu.memory_space<vmem>>
      %dma_start3A_270 = arith.constant 0 : i32
      %dma_start3A_271 = arith.constant 0 : i32
      %dma_start3A_272 = tpu.memref_slice %arg2[%dma_start3A_270, %dma_start3A_271] : memref<65x128xf32, #tpu.memory_space<hbm>> -> memref<65x128xf32, #tpu.memory_space<hbm>>
      tpu.enqueue_indirect_dma source(%dma_start3A_272 : memref<65x128xf32, #tpu.memory_space<hbm>>) target(%dma_start3A_266 : memref<112x128xf32, #tpu.memory_space<vmem>>) offsets(%dma_start3A_269 : memref<112xi32, #tpu.memory_space<vmem>>) semaphore(%arg6 : memref<!tpu.dma_semaphore, #tpu.memory_space<semaphore_mem>>)
      %dma_start3A_273 = arith.constant 1 : i32
      %dma_start3A_274 = arith.constant 112 : i32
      %dma_start3A_275 = arith.constant 0 : i32
      %dma_start3A_276 = tpu.memref_slice %arg5[%dma_start3A_274, %dma_start3A_275] : memref<224x128xf32, #tpu.memory_space<vmem>> -> memref<112x128xf32, #tpu.memory_space<vmem>>
      %dma_start3A_277 = arith.constant 0 : i32
      %dma_start3A_278 = tpu.memref_slice %arg4[%dma_start3A_273, %dma_start3A_277] : memref<2x112xi32, #tpu.memory_space<vmem>> -> memref<1x112xi32, #tpu.memory_space<vmem>>
      %dma_start3A_279 = tpu.memref_squeeze %dma_start3A_278 : memref<1x112xi32, #tpu.memory_space<vmem>> -> memref<112xi32, #tpu.memory_space<vmem>>
      %dma_start3A_280 = arith.constant 0 : i32
      %dma_start3A_281 = arith.constant 0 : i32
      %dma_start3A_282 = tpu.memref_slice %arg2[%dma_start3A_280, %dma_start3A_281] : memref<65x128xf32, #tpu.memory_space<hbm>> -> memref<65x128xf32, #tpu.memory_space<hbm>>
      tpu.enqueue_indirect_dma source(%dma_start3A_282 : memref<65x128xf32, #tpu.memory_space<hbm>>) target(%dma_start3A_276 : memref<112x128xf32, #tpu.memory_space<vmem>>) offsets(%dma_start3A_279 : memref<112xi32, #tpu.memory_space<vmem>>) semaphore(%arg6 : memref<!tpu.dma_semaphore, #tpu.memory_space<semaphore_mem>>)
      %dma_wait3A = arith.constant 0 : i32
      %dma_wait3A_283 = arith.constant 0 : i32
      %dma_wait3A_284 = arith.constant 0 : i32
      %dma_wait3A_285 = tpu.memref_slice %arg5[%dma_wait3A_283, %dma_wait3A_284] : memref<224x128xf32, #tpu.memory_space<vmem>> -> memref<112x128xf32, #tpu.memory_space<vmem>>
      %dma_wait3A_286 = arith.constant 0 : i32
      %dma_wait3A_287 = tpu.memref_slice %arg4[%dma_wait3A, %dma_wait3A_286] : memref<2x112xi32, #tpu.memory_space<vmem>> -> memref<1x112xi32, #tpu.memory_space<vmem>>
      %dma_wait3A_288 = tpu.memref_squeeze %dma_wait3A_287 : memref<1x112xi32, #tpu.memory_space<vmem>> -> memref<112xi32, #tpu.memory_space<vmem>>
      %dma_wait3A_289 = arith.constant 0 : i32
      %dma_wait3A_290 = arith.constant 0 : i32
      %dma_wait3A_291 = tpu.memref_slice %arg2[%dma_wait3A_289, %dma_wait3A_290] : memref<65x128xf32, #tpu.memory_space<hbm>> -> memref<65x128xf32, #tpu.memory_space<hbm>>
      tpu.wait_indirect_dma semaphore(%arg6 : memref<!tpu.dma_semaphore, #tpu.memory_space<semaphore_mem>>) src(%dma_wait3A_291 : memref<65x128xf32, #tpu.memory_space<hbm>>) dst(%dma_wait3A_285 : memref<112x128xf32, #tpu.memory_space<vmem>>)
      %dma_wait3A_292 = arith.constant 1 : i32
      %dma_wait3A_293 = arith.constant 112 : i32
      %dma_wait3A_294 = arith.constant 0 : i32
      %dma_wait3A_295 = tpu.memref_slice %arg5[%dma_wait3A_293, %dma_wait3A_294] : memref<224x128xf32, #tpu.memory_space<vmem>> -> memref<112x128xf32, #tpu.memory_space<vmem>>
      %dma_wait3A_296 = arith.constant 0 : i32
      %dma_wait3A_297 = tpu.memref_slice %arg4[%dma_wait3A_292, %dma_wait3A_296] : memref<2x112xi32, #tpu.memory_space<vmem>> -> memref<1x112xi32, #tpu.memory_space<vmem>>
      %dma_wait3A_298 = tpu.memref_squeeze %dma_wait3A_297 : memref<1x112xi32, #tpu.memory_space<vmem>> -> memref<112xi32, #tpu.memory_space<vmem>>
      %dma_wait3A_299 = arith.constant 0 : i32
      %dma_wait3A_300 = arith.constant 0 : i32
      %dma_wait3A_301 = tpu.memref_slice %arg2[%dma_wait3A_299, %dma_wait3A_300] : memref<65x128xf32, #tpu.memory_space<hbm>> -> memref<65x128xf32, #tpu.memory_space<hbm>>
      tpu.wait_indirect_dma semaphore(%arg6 : memref<!tpu.dma_semaphore, #tpu.memory_space<semaphore_mem>>) src(%dma_wait3A_301 : memref<65x128xf32, #tpu.memory_space<hbm>>) dst(%dma_wait3A_295 : memref<112x128xf32, #tpu.memory_space<vmem>>)
      "tpu.region"() ({
        %run_scoped3A = tpu.sem_alloc : memref<!tpu.dma_semaphore, #tpu.memory_space<semaphore_mem>>
        tpu.enqueue_dma source(%arg5 : memref<224x128xf32, #tpu.memory_space<vmem>>) target(%arg3 : memref<224x128xf32, #tpu.memory_space<hbm>>) target_semaphore(%run_scoped3A : memref<!tpu.dma_semaphore, #tpu.memory_space<semaphore_mem>>)
        tpu.wait_dma2 semaphore(%run_scoped3A : memref<!tpu.dma_semaphore, #tpu.memory_space<semaphore_mem>>) src(%arg5 : memref<224x128xf32, #tpu.memory_space<vmem>>) dst(%arg3 : memref<224x128xf32, #tpu.memory_space<hbm>>)
        tpu.yield
      }) : () -> ()
    } else {
    }
    return
  }
}

module attributes {stable_mosaic.version = 14 : i64} {
  func.func @_pos_kernel(%arg0: i32, %arg1: memref<224x128xf32, #tpu.memory_space<vmem>>, %arg2: memref<32x128xf32, #tpu.memory_space<vmem>>, %arg3: memref<1x7168x96xf32, #tpu.memory_space<vmem>>) attributes {dimension_semantics = [#tpu.dimension_semantics<parallel>], iteration_bounds = array<i64: 7>, scalar_prefetch = 0 : i64, scratch_operands = 0 : i64, tpu.core_type = #tpu.core_type<tc>, window_params = [{pipeline_mode = #tpu.pipeline_mode<synchronous>, transform_indices = @transform_0, window_bounds = array<i64: 224, 128>}, {transform_indices = @transform_1, window_bounds = array<i64: 32, 128>}, {transform_indices = @transform_2, window_bounds = array<i64: 1, 7168, 96>}]} {
    %get3A = arith.constant 0 : index
    %get3A_0 = arith.constant 0 : index
    %get3A_1 = vector.load %arg1[%get3A, %get3A_0] : memref<224x128xf32, #tpu.memory_space<vmem>>, vector<224x128xf32>
    %slice3A = vector.extract_strided_slice %get3A_1 {offsets = [0, 0], sizes = [224, 96], strides = [1, 1]} : vector<224x128xf32> to vector<224x96xf32>
    %get3A_2 = arith.constant 0 : index
    %get3A_3 = arith.constant 0 : index
    %get3A_4 = vector.load %arg2[%get3A_2, %get3A_3] : memref<32x128xf32, #tpu.memory_space<vmem>>, vector<32x128xf32>
    %slice3A_5 = vector.extract_strided_slice %get3A_4 {offsets = [0, 0], sizes = [32, 96], strides = [1, 1]} : vector<32x128xf32> to vector<32x96xf32>
    %slice3A_6 = vector.extract_strided_slice %slice3A_5 {offsets = [0, 0], sizes = [1, 96], strides = [1, 1]} : vector<32x96xf32> to vector<1x96xf32>
    %add3A = vector.broadcast %slice3A_6 : vector<1x96xf32> to vector<224x96xf32>
    %add3A_7 = arith.addf %add3A, %slice3A : vector<224x96xf32>
    %swap3A = arith.constant 0 : index
    %swap3A_8 = arith.constant 0 : index
    %swap3A_9 = arith.constant 0 : index
    %swap3A_10 = vector.load %arg3[%swap3A, %swap3A_8, %swap3A_9] : memref<1x7168x96xf32, #tpu.memory_space<vmem>>, vector<1x224x96xf32>
    %swap3A_11 = vector.shape_cast %swap3A_10 : vector<1x224x96xf32> to vector<224x96xf32>
    %swap3A_12 = vector.shape_cast %add3A_7 : vector<224x96xf32> to vector<1x224x96xf32>
    tpu.vector_store %arg3[%swap3A, %swap3A_8, %swap3A_9], %swap3A_12 {strides = array<i32>} : memref<1x7168x96xf32, #tpu.memory_space<vmem>>, vector<1x224x96xf32>,
    %slice3A_13 = vector.extract_strided_slice %slice3A_5 {offsets = [1, 0], sizes = [1, 96], strides = [1, 1]} : vector<32x96xf32> to vector<1x96xf32>
    %add3A_14 = vector.broadcast %slice3A_13 : vector<1x96xf32> to vector<224x96xf32>
    %add3A_15 = arith.addf %add3A_14, %slice3A : vector<224x96xf32>
    %swap3A_16 = arith.constant 0 : index
    %swap3A_17 = arith.constant 224 : index
    %swap3A_18 = arith.constant 0 : index
    %swap3A_19 = vector.load %arg3[%swap3A_16, %swap3A_17, %swap3A_18] : memref<1x7168x96xf32, #tpu.memory_space<vmem>>, vector<1x224x96xf32>
    %swap3A_20 = vector.shape_cast %swap3A_19 : vector<1x224x96xf32> to vector<224x96xf32>
    %swap3A_21 = vector.shape_cast %add3A_15 : vector<224x96xf32> to vector<1x224x96xf32>
    tpu.vector_store %arg3[%swap3A_16, %swap3A_17, %swap3A_18], %swap3A_21 {strides = array<i32>} : memref<1x7168x96xf32, #tpu.memory_space<vmem>>, vector<1x224x96xf32>,
    %slice3A_22 = vector.extract_strided_slice %slice3A_5 {offsets = [2, 0], sizes = [1, 96], strides = [1, 1]} : vector<32x96xf32> to vector<1x96xf32>
    %add3A_23 = vector.broadcast %slice3A_22 : vector<1x96xf32> to vector<224x96xf32>
    %add3A_24 = arith.addf %add3A_23, %slice3A : vector<224x96xf32>
    %swap3A_25 = arith.constant 0 : index
    %swap3A_26 = arith.constant 448 : index
    %swap3A_27 = arith.constant 0 : index
    %swap3A_28 = vector.load %arg3[%swap3A_25, %swap3A_26, %swap3A_27] : memref<1x7168x96xf32, #tpu.memory_space<vmem>>, vector<1x224x96xf32>
    %swap3A_29 = vector.shape_cast %swap3A_28 : vector<1x224x96xf32> to vector<224x96xf32>
    %swap3A_30 = vector.shape_cast %add3A_24 : vector<224x96xf32> to vector<1x224x96xf32>
    tpu.vector_store %arg3[%swap3A_25, %swap3A_26, %swap3A_27], %swap3A_30 {strides = array<i32>} : memref<1x7168x96xf32, #tpu.memory_space<vmem>>, vector<1x224x96xf32>,
    %slice3A_31 = vector.extract_strided_slice %slice3A_5 {offsets = [3, 0], sizes = [1, 96], strides = [1, 1]} : vector<32x96xf32> to vector<1x96xf32>
    %add3A_32 = vector.broadcast %slice3A_31 : vector<1x96xf32> to vector<224x96xf32>
    %add3A_33 = arith.addf %add3A_32, %slice3A : vector<224x96xf32>
    %swap3A_34 = arith.constant 0 : index
    %swap3A_35 = arith.constant 672 : index
    %swap3A_36 = arith.constant 0 : index
    %swap3A_37 = vector.load %arg3[%swap3A_34, %swap3A_35, %swap3A_36] : memref<1x7168x96xf32, #tpu.memory_space<vmem>>, vector<1x224x96xf32>
    %swap3A_38 = vector.shape_cast %swap3A_37 : vector<1x224x96xf32> to vector<224x96xf32>
    %swap3A_39 = vector.shape_cast %add3A_33 : vector<224x96xf32> to vector<1x224x96xf32>
    tpu.vector_store %arg3[%swap3A_34, %swap3A_35, %swap3A_36], %swap3A_39 {strides = array<i32>} : memref<1x7168x96xf32, #tpu.memory_space<vmem>>, vector<1x224x96xf32>,
    %slice3A_40 = vector.extract_strided_slice %slice3A_5 {offsets = [4, 0], sizes = [1, 96], strides = [1, 1]} : vector<32x96xf32> to vector<1x96xf32>
    %add3A_41 = vector.broadcast %slice3A_40 : vector<1x96xf32> to vector<224x96xf32>
    %add3A_42 = arith.addf %add3A_41, %slice3A : vector<224x96xf32>
    %swap3A_43 = arith.constant 0 : index
    %swap3A_44 = arith.constant 896 : index
    %swap3A_45 = arith.constant 0 : index
    %swap3A_46 = vector.load %arg3[%swap3A_43, %swap3A_44, %swap3A_45] : memref<1x7168x96xf32, #tpu.memory_space<vmem>>, vector<1x224x96xf32>
    %swap3A_47 = vector.shape_cast %swap3A_46 : vector<1x224x96xf32> to vector<224x96xf32>
    %swap3A_48 = vector.shape_cast %add3A_42 : vector<224x96xf32> to vector<1x224x96xf32>
    tpu.vector_store %arg3[%swap3A_43, %swap3A_44, %swap3A_45], %swap3A_48 {strides = array<i32>} : memref<1x7168x96xf32, #tpu.memory_space<vmem>>, vector<1x224x96xf32>,
    %slice3A_49 = vector.extract_strided_slice %slice3A_5 {offsets = [5, 0], sizes = [1, 96], strides = [1, 1]} : vector<32x96xf32> to vector<1x96xf32>
    %add3A_50 = vector.broadcast %slice3A_49 : vector<1x96xf32> to vector<224x96xf32>
    %add3A_51 = arith.addf %add3A_50, %slice3A : vector<224x96xf32>
    %swap3A_52 = arith.constant 0 : index
    %swap3A_53 = arith.constant 1120 : index
    %swap3A_54 = arith.constant 0 : index
    %swap3A_55 = vector.load %arg3[%swap3A_52, %swap3A_53, %swap3A_54] : memref<1x7168x96xf32, #tpu.memory_space<vmem>>, vector<1x224x96xf32>
    %swap3A_56 = vector.shape_cast %swap3A_55 : vector<1x224x96xf32> to vector<224x96xf32>
    %swap3A_57 = vector.shape_cast %add3A_51 : vector<224x96xf32> to vector<1x224x96xf32>
    tpu.vector_store %arg3[%swap3A_52, %swap3A_53, %swap3A_54], %swap3A_57 {strides = array<i32>} : memref<1x7168x96xf32, #tpu.memory_space<vmem>>, vector<1x224x96xf32>,
    %slice3A_58 = vector.extract_strided_slice %slice3A_5 {offsets = [6, 0], sizes = [1, 96], strides = [1, 1]} : vector<32x96xf32> to vector<1x96xf32>
    %add3A_59 = vector.broadcast %slice3A_58 : vector<1x96xf32> to vector<224x96xf32>
    %add3A_60 = arith.addf %add3A_59, %slice3A : vector<224x96xf32>
    %swap3A_61 = arith.constant 0 : index
    %swap3A_62 = arith.constant 1344 : index
    %swap3A_63 = arith.constant 0 : index
    %swap3A_64 = vector.load %arg3[%swap3A_61, %swap3A_62, %swap3A_63] : memref<1x7168x96xf32, #tpu.memory_space<vmem>>, vector<1x224x96xf32>
    %swap3A_65 = vector.shape_cast %swap3A_64 : vector<1x224x96xf32> to vector<224x96xf32>
    %swap3A_66 = vector.shape_cast %add3A_60 : vector<224x96xf32> to vector<1x224x96xf32>
    tpu.vector_store %arg3[%swap3A_61, %swap3A_62, %swap3A_63], %swap3A_66 {strides = array<i32>} : memref<1x7168x96xf32, #tpu.memory_space<vmem>>, vector<1x224x96xf32>,
    %slice3A_67 = vector.extract_strided_slice %slice3A_5 {offsets = [7, 0], sizes = [1, 96], strides = [1, 1]} : vector<32x96xf32> to vector<1x96xf32>
    %add3A_68 = vector.broadcast %slice3A_67 : vector<1x96xf32> to vector<224x96xf32>
    %add3A_69 = arith.addf %add3A_68, %slice3A : vector<224x96xf32>
    %swap3A_70 = arith.constant 0 : index
    %swap3A_71 = arith.constant 1568 : index
    %swap3A_72 = arith.constant 0 : index
    %swap3A_73 = vector.load %arg3[%swap3A_70, %swap3A_71, %swap3A_72] : memref<1x7168x96xf32, #tpu.memory_space<vmem>>, vector<1x224x96xf32>
    %swap3A_74 = vector.shape_cast %swap3A_73 : vector<1x224x96xf32> to vector<224x96xf32>
    %swap3A_75 = vector.shape_cast %add3A_69 : vector<224x96xf32> to vector<1x224x96xf32>
    tpu.vector_store %arg3[%swap3A_70, %swap3A_71, %swap3A_72], %swap3A_75 {strides = array<i32>} : memref<1x7168x96xf32, #tpu.memory_space<vmem>>, vector<1x224x96xf32>,
    %slice3A_76 = vector.extract_strided_slice %slice3A_5 {offsets = [8, 0], sizes = [1, 96], strides = [1, 1]} : vector<32x96xf32> to vector<1x96xf32>
    %add3A_77 = vector.broadcast %slice3A_76 : vector<1x96xf32> to vector<224x96xf32>
    %add3A_78 = arith.addf %add3A_77, %slice3A : vector<224x96xf32>
    %swap3A_79 = arith.constant 0 : index
    %swap3A_80 = arith.constant 1792 : index
    %swap3A_81 = arith.constant 0 : index
    %swap3A_82 = vector.load %arg3[%swap3A_79, %swap3A_80, %swap3A_81] : memref<1x7168x96xf32, #tpu.memory_space<vmem>>, vector<1x224x96xf32>
    %swap3A_83 = vector.shape_cast %swap3A_82 : vector<1x224x96xf32> to vector<224x96xf32>
    %swap3A_84 = vector.shape_cast %add3A_78 : vector<224x96xf32> to vector<1x224x96xf32>
    tpu.vector_store %arg3[%swap3A_79, %swap3A_80, %swap3A_81], %swap3A_84 {strides = array<i32>} : memref<1x7168x96xf32, #tpu.memory_space<vmem>>, vector<1x224x96xf32>,
    %slice3A_85 = vector.extract_strided_slice %slice3A_5 {offsets = [9, 0], sizes = [1, 96], strides = [1, 1]} : vector<32x96xf32> to vector<1x96xf32>
    %add3A_86 = vector.broadcast %slice3A_85 : vector<1x96xf32> to vector<224x96xf32>
    %add3A_87 = arith.addf %add3A_86, %slice3A : vector<224x96xf32>
    %swap3A_88 = arith.constant 0 : index
    %swap3A_89 = arith.constant 2016 : index
    %swap3A_90 = arith.constant 0 : index
    %swap3A_91 = vector.load %arg3[%swap3A_88, %swap3A_89, %swap3A_90] : memref<1x7168x96xf32, #tpu.memory_space<vmem>>, vector<1x224x96xf32>
    %swap3A_92 = vector.shape_cast %swap3A_91 : vector<1x224x96xf32> to vector<224x96xf32>
    %swap3A_93 = vector.shape_cast %add3A_87 : vector<224x96xf32> to vector<1x224x96xf32>
    tpu.vector_store %arg3[%swap3A_88, %swap3A_89, %swap3A_90], %swap3A_93 {strides = array<i32>} : memref<1x7168x96xf32, #tpu.memory_space<vmem>>, vector<1x224x96xf32>,
    %slice3A_94 = vector.extract_strided_slice %slice3A_5 {offsets = [10, 0], sizes = [1, 96], strides = [1, 1]} : vector<32x96xf32> to vector<1x96xf32>
    %add3A_95 = vector.broadcast %slice3A_94 : vector<1x96xf32> to vector<224x96xf32>
    %add3A_96 = arith.addf %add3A_95, %slice3A : vector<224x96xf32>
    %swap3A_97 = arith.constant 0 : index
    %swap3A_98 = arith.constant 2240 : index
    %swap3A_99 = arith.constant 0 : index
    %swap3A_100 = vector.load %arg3[%swap3A_97, %swap3A_98, %swap3A_99] : memref<1x7168x96xf32, #tpu.memory_space<vmem>>, vector<1x224x96xf32>
    %swap3A_101 = vector.shape_cast %swap3A_100 : vector<1x224x96xf32> to vector<224x96xf32>
    %swap3A_102 = vector.shape_cast %add3A_96 : vector<224x96xf32> to vector<1x224x96xf32>
    tpu.vector_store %arg3[%swap3A_97, %swap3A_98, %swap3A_99], %swap3A_102 {strides = array<i32>} : memref<1x7168x96xf32, #tpu.memory_space<vmem>>, vector<1x224x96xf32>,
    %slice3A_103 = vector.extract_strided_slice %slice3A_5 {offsets = [11, 0], sizes = [1, 96], strides = [1, 1]} : vector<32x96xf32> to vector<1x96xf32>
    %add3A_104 = vector.broadcast %slice3A_103 : vector<1x96xf32> to vector<224x96xf32>
    %add3A_105 = arith.addf %add3A_104, %slice3A : vector<224x96xf32>
    %swap3A_106 = arith.constant 0 : index
    %swap3A_107 = arith.constant 2464 : index
    %swap3A_108 = arith.constant 0 : index
    %swap3A_109 = vector.load %arg3[%swap3A_106, %swap3A_107, %swap3A_108] : memref<1x7168x96xf32, #tpu.memory_space<vmem>>, vector<1x224x96xf32>
    %swap3A_110 = vector.shape_cast %swap3A_109 : vector<1x224x96xf32> to vector<224x96xf32>
    %swap3A_111 = vector.shape_cast %add3A_105 : vector<224x96xf32> to vector<1x224x96xf32>
    tpu.vector_store %arg3[%swap3A_106, %swap3A_107, %swap3A_108], %swap3A_111 {strides = array<i32>} : memref<1x7168x96xf32, #tpu.memory_space<vmem>>, vector<1x224x96xf32>,
    %slice3A_112 = vector.extract_strided_slice %slice3A_5 {offsets = [12, 0], sizes = [1, 96], strides = [1, 1]} : vector<32x96xf32> to vector<1x96xf32>
    %add3A_113 = vector.broadcast %slice3A_112 : vector<1x96xf32> to vector<224x96xf32>
    %add3A_114 = arith.addf %add3A_113, %slice3A : vector<224x96xf32>
    %swap3A_115 = arith.constant 0 : index
    %swap3A_116 = arith.constant 2688 : index
    %swap3A_117 = arith.constant 0 : index
    %swap3A_118 = vector.load %arg3[%swap3A_115, %swap3A_116, %swap3A_117] : memref<1x7168x96xf32, #tpu.memory_space<vmem>>, vector<1x224x96xf32>
    %swap3A_119 = vector.shape_cast %swap3A_118 : vector<1x224x96xf32> to vector<224x96xf32>
    %swap3A_120 = vector.shape_cast %add3A_114 : vector<224x96xf32> to vector<1x224x96xf32>
    tpu.vector_store %arg3[%swap3A_115, %swap3A_116, %swap3A_117], %swap3A_120 {strides = array<i32>} : memref<1x7168x96xf32, #tpu.memory_space<vmem>>, vector<1x224x96xf32>,
    %slice3A_121 = vector.extract_strided_slice %slice3A_5 {offsets = [13, 0], sizes = [1, 96], strides = [1, 1]} : vector<32x96xf32> to vector<1x96xf32>
    %add3A_122 = vector.broadcast %slice3A_121 : vector<1x96xf32> to vector<224x96xf32>
    %add3A_123 = arith.addf %add3A_122, %slice3A : vector<224x96xf32>
    %swap3A_124 = arith.constant 0 : index
    %swap3A_125 = arith.constant 2912 : index
    %swap3A_126 = arith.constant 0 : index
    %swap3A_127 = vector.load %arg3[%swap3A_124, %swap3A_125, %swap3A_126] : memref<1x7168x96xf32, #tpu.memory_space<vmem>>, vector<1x224x96xf32>
    %swap3A_128 = vector.shape_cast %swap3A_127 : vector<1x224x96xf32> to vector<224x96xf32>
    %swap3A_129 = vector.shape_cast %add3A_123 : vector<224x96xf32> to vector<1x224x96xf32>
    tpu.vector_store %arg3[%swap3A_124, %swap3A_125, %swap3A_126], %swap3A_129 {strides = array<i32>} : memref<1x7168x96xf32, #tpu.memory_space<vmem>>, vector<1x224x96xf32>,
    %slice3A_130 = vector.extract_strided_slice %slice3A_5 {offsets = [14, 0], sizes = [1, 96], strides = [1, 1]} : vector<32x96xf32> to vector<1x96xf32>
    %add3A_131 = vector.broadcast %slice3A_130 : vector<1x96xf32> to vector<224x96xf32>
    %add3A_132 = arith.addf %add3A_131, %slice3A : vector<224x96xf32>
    %swap3A_133 = arith.constant 0 : index
    %swap3A_134 = arith.constant 3136 : index
    %swap3A_135 = arith.constant 0 : index
    %swap3A_136 = vector.load %arg3[%swap3A_133, %swap3A_134, %swap3A_135] : memref<1x7168x96xf32, #tpu.memory_space<vmem>>, vector<1x224x96xf32>
    %swap3A_137 = vector.shape_cast %swap3A_136 : vector<1x224x96xf32> to vector<224x96xf32>
    %swap3A_138 = vector.shape_cast %add3A_132 : vector<224x96xf32> to vector<1x224x96xf32>
    tpu.vector_store %arg3[%swap3A_133, %swap3A_134, %swap3A_135], %swap3A_138 {strides = array<i32>} : memref<1x7168x96xf32, #tpu.memory_space<vmem>>, vector<1x224x96xf32>,
    %slice3A_139 = vector.extract_strided_slice %slice3A_5 {offsets = [15, 0], sizes = [1, 96], strides = [1, 1]} : vector<32x96xf32> to vector<1x96xf32>
    %add3A_140 = vector.broadcast %slice3A_139 : vector<1x96xf32> to vector<224x96xf32>
    %add3A_141 = arith.addf %add3A_140, %slice3A : vector<224x96xf32>
    %swap3A_142 = arith.constant 0 : index
    %swap3A_143 = arith.constant 3360 : index
    %swap3A_144 = arith.constant 0 : index
    %swap3A_145 = vector.load %arg3[%swap3A_142, %swap3A_143, %swap3A_144] : memref<1x7168x96xf32, #tpu.memory_space<vmem>>, vector<1x224x96xf32>
    %swap3A_146 = vector.shape_cast %swap3A_145 : vector<1x224x96xf32> to vector<224x96xf32>
    %swap3A_147 = vector.shape_cast %add3A_141 : vector<224x96xf32> to vector<1x224x96xf32>
    tpu.vector_store %arg3[%swap3A_142, %swap3A_143, %swap3A_144], %swap3A_147 {strides = array<i32>} : memref<1x7168x96xf32, #tpu.memory_space<vmem>>, vector<1x224x96xf32>,
    %slice3A_148 = vector.extract_strided_slice %slice3A_5 {offsets = [16, 0], sizes = [1, 96], strides = [1, 1]} : vector<32x96xf32> to vector<1x96xf32>
    %add3A_149 = vector.broadcast %slice3A_148 : vector<1x96xf32> to vector<224x96xf32>
    %add3A_150 = arith.addf %add3A_149, %slice3A : vector<224x96xf32>
    %swap3A_151 = arith.constant 0 : index
    %swap3A_152 = arith.constant 3584 : index
    %swap3A_153 = arith.constant 0 : index
    %swap3A_154 = vector.load %arg3[%swap3A_151, %swap3A_152, %swap3A_153] : memref<1x7168x96xf32, #tpu.memory_space<vmem>>, vector<1x224x96xf32>
    %swap3A_155 = vector.shape_cast %swap3A_154 : vector<1x224x96xf32> to vector<224x96xf32>
    %swap3A_156 = vector.shape_cast %add3A_150 : vector<224x96xf32> to vector<1x224x96xf32>
    tpu.vector_store %arg3[%swap3A_151, %swap3A_152, %swap3A_153], %swap3A_156 {strides = array<i32>} : memref<1x7168x96xf32, #tpu.memory_space<vmem>>, vector<1x224x96xf32>,
    %slice3A_157 = vector.extract_strided_slice %slice3A_5 {offsets = [17, 0], sizes = [1, 96], strides = [1, 1]} : vector<32x96xf32> to vector<1x96xf32>
    %add3A_158 = vector.broadcast %slice3A_157 : vector<1x96xf32> to vector<224x96xf32>
    %add3A_159 = arith.addf %add3A_158, %slice3A : vector<224x96xf32>
    %swap3A_160 = arith.constant 0 : index
    %swap3A_161 = arith.constant 3808 : index
    %swap3A_162 = arith.constant 0 : index
    %swap3A_163 = vector.load %arg3[%swap3A_160, %swap3A_161, %swap3A_162] : memref<1x7168x96xf32, #tpu.memory_space<vmem>>, vector<1x224x96xf32>
    %swap3A_164 = vector.shape_cast %swap3A_163 : vector<1x224x96xf32> to vector<224x96xf32>
    %swap3A_165 = vector.shape_cast %add3A_159 : vector<224x96xf32> to vector<1x224x96xf32>
    tpu.vector_store %arg3[%swap3A_160, %swap3A_161, %swap3A_162], %swap3A_165 {strides = array<i32>} : memref<1x7168x96xf32, #tpu.memory_space<vmem>>, vector<1x224x96xf32>,
    %slice3A_166 = vector.extract_strided_slice %slice3A_5 {offsets = [18, 0], sizes = [1, 96], strides = [1, 1]} : vector<32x96xf32> to vector<1x96xf32>
    %add3A_167 = vector.broadcast %slice3A_166 : vector<1x96xf32> to vector<224x96xf32>
    %add3A_168 = arith.addf %add3A_167, %slice3A : vector<224x96xf32>
    %swap3A_169 = arith.constant 0 : index
    %swap3A_170 = arith.constant 4032 : index
    %swap3A_171 = arith.constant 0 : index
    %swap3A_172 = vector.load %arg3[%swap3A_169, %swap3A_170, %swap3A_171] : memref<1x7168x96xf32, #tpu.memory_space<vmem>>, vector<1x224x96xf32>
    %swap3A_173 = vector.shape_cast %swap3A_172 : vector<1x224x96xf32> to vector<224x96xf32>
    %swap3A_174 = vector.shape_cast %add3A_168 : vector<224x96xf32> to vector<1x224x96xf32>
    tpu.vector_store %arg3[%swap3A_169, %swap3A_170, %swap3A_171], %swap3A_174 {strides = array<i32>} : memref<1x7168x96xf32, #tpu.memory_space<vmem>>, vector<1x224x96xf32>,
    %slice3A_175 = vector.extract_strided_slice %slice3A_5 {offsets = [19, 0], sizes = [1, 96], strides = [1, 1]} : vector<32x96xf32> to vector<1x96xf32>
    %add3A_176 = vector.broadcast %slice3A_175 : vector<1x96xf32> to vector<224x96xf32>
    %add3A_177 = arith.addf %add3A_176, %slice3A : vector<224x96xf32>
    %swap3A_178 = arith.constant 0 : index
    %swap3A_179 = arith.constant 4256 : index
    %swap3A_180 = arith.constant 0 : index
    %swap3A_181 = vector.load %arg3[%swap3A_178, %swap3A_179, %swap3A_180] : memref<1x7168x96xf32, #tpu.memory_space<vmem>>, vector<1x224x96xf32>
    %swap3A_182 = vector.shape_cast %swap3A_181 : vector<1x224x96xf32> to vector<224x96xf32>
    %swap3A_183 = vector.shape_cast %add3A_177 : vector<224x96xf32> to vector<1x224x96xf32>
    tpu.vector_store %arg3[%swap3A_178, %swap3A_179, %swap3A_180], %swap3A_183 {strides = array<i32>} : memref<1x7168x96xf32, #tpu.memory_space<vmem>>, vector<1x224x96xf32>,
    %slice3A_184 = vector.extract_strided_slice %slice3A_5 {offsets = [20, 0], sizes = [1, 96], strides = [1, 1]} : vector<32x96xf32> to vector<1x96xf32>
    %add3A_185 = vector.broadcast %slice3A_184 : vector<1x96xf32> to vector<224x96xf32>
    %add3A_186 = arith.addf %add3A_185, %slice3A : vector<224x96xf32>
    %swap3A_187 = arith.constant 0 : index
    %swap3A_188 = arith.constant 4480 : index
    %swap3A_189 = arith.constant 0 : index
    %swap3A_190 = vector.load %arg3[%swap3A_187, %swap3A_188, %swap3A_189] : memref<1x7168x96xf32, #tpu.memory_space<vmem>>, vector<1x224x96xf32>
    %swap3A_191 = vector.shape_cast %swap3A_190 : vector<1x224x96xf32> to vector<224x96xf32>
    %swap3A_192 = vector.shape_cast %add3A_186 : vector<224x96xf32> to vector<1x224x96xf32>
    tpu.vector_store %arg3[%swap3A_187, %swap3A_188, %swap3A_189], %swap3A_192 {strides = array<i32>} : memref<1x7168x96xf32, #tpu.memory_space<vmem>>, vector<1x224x96xf32>,
    %slice3A_193 = vector.extract_strided_slice %slice3A_5 {offsets = [21, 0], sizes = [1, 96], strides = [1, 1]} : vector<32x96xf32> to vector<1x96xf32>
    %add3A_194 = vector.broadcast %slice3A_193 : vector<1x96xf32> to vector<224x96xf32>
    %add3A_195 = arith.addf %add3A_194, %slice3A : vector<224x96xf32>
    %swap3A_196 = arith.constant 0 : index
    %swap3A_197 = arith.constant 4704 : index
    %swap3A_198 = arith.constant 0 : index
    %swap3A_199 = vector.load %arg3[%swap3A_196, %swap3A_197, %swap3A_198] : memref<1x7168x96xf32, #tpu.memory_space<vmem>>, vector<1x224x96xf32>
    %swap3A_200 = vector.shape_cast %swap3A_199 : vector<1x224x96xf32> to vector<224x96xf32>
    %swap3A_201 = vector.shape_cast %add3A_195 : vector<224x96xf32> to vector<1x224x96xf32>
    tpu.vector_store %arg3[%swap3A_196, %swap3A_197, %swap3A_198], %swap3A_201 {strides = array<i32>} : memref<1x7168x96xf32, #tpu.memory_space<vmem>>, vector<1x224x96xf32>,
    %slice3A_202 = vector.extract_strided_slice %slice3A_5 {offsets = [22, 0], sizes = [1, 96], strides = [1, 1]} : vector<32x96xf32> to vector<1x96xf32>
    %add3A_203 = vector.broadcast %slice3A_202 : vector<1x96xf32> to vector<224x96xf32>
    %add3A_204 = arith.addf %add3A_203, %slice3A : vector<224x96xf32>
    %swap3A_205 = arith.constant 0 : index
    %swap3A_206 = arith.constant 4928 : index
    %swap3A_207 = arith.constant 0 : index
    %swap3A_208 = vector.load %arg3[%swap3A_205, %swap3A_206, %swap3A_207] : memref<1x7168x96xf32, #tpu.memory_space<vmem>>, vector<1x224x96xf32>
    %swap3A_209 = vector.shape_cast %swap3A_208 : vector<1x224x96xf32> to vector<224x96xf32>
    %swap3A_210 = vector.shape_cast %add3A_204 : vector<224x96xf32> to vector<1x224x96xf32>
    tpu.vector_store %arg3[%swap3A_205, %swap3A_206, %swap3A_207], %swap3A_210 {strides = array<i32>} : memref<1x7168x96xf32, #tpu.memory_space<vmem>>, vector<1x224x96xf32>,
    %slice3A_211 = vector.extract_strided_slice %slice3A_5 {offsets = [23, 0], sizes = [1, 96], strides = [1, 1]} : vector<32x96xf32> to vector<1x96xf32>
    %add3A_212 = vector.broadcast %slice3A_211 : vector<1x96xf32> to vector<224x96xf32>
    %add3A_213 = arith.addf %add3A_212, %slice3A : vector<224x96xf32>
    %swap3A_214 = arith.constant 0 : index
    %swap3A_215 = arith.constant 5152 : index
    %swap3A_216 = arith.constant 0 : index
    %swap3A_217 = vector.load %arg3[%swap3A_214, %swap3A_215, %swap3A_216] : memref<1x7168x96xf32, #tpu.memory_space<vmem>>, vector<1x224x96xf32>
    %swap3A_218 = vector.shape_cast %swap3A_217 : vector<1x224x96xf32> to vector<224x96xf32>
    %swap3A_219 = vector.shape_cast %add3A_213 : vector<224x96xf32> to vector<1x224x96xf32>
    tpu.vector_store %arg3[%swap3A_214, %swap3A_215, %swap3A_216], %swap3A_219 {strides = array<i32>} : memref<1x7168x96xf32, #tpu.memory_space<vmem>>, vector<1x224x96xf32>,
    %slice3A_220 = vector.extract_strided_slice %slice3A_5 {offsets = [24, 0], sizes = [1, 96], strides = [1, 1]} : vector<32x96xf32> to vector<1x96xf32>
    %add3A_221 = vector.broadcast %slice3A_220 : vector<1x96xf32> to vector<224x96xf32>
    %add3A_222 = arith.addf %add3A_221, %slice3A : vector<224x96xf32>
    %swap3A_223 = arith.constant 0 : index
    %swap3A_224 = arith.constant 5376 : index
    %swap3A_225 = arith.constant 0 : index
    %swap3A_226 = vector.load %arg3[%swap3A_223, %swap3A_224, %swap3A_225] : memref<1x7168x96xf32, #tpu.memory_space<vmem>>, vector<1x224x96xf32>
    %swap3A_227 = vector.shape_cast %swap3A_226 : vector<1x224x96xf32> to vector<224x96xf32>
    %swap3A_228 = vector.shape_cast %add3A_222 : vector<224x96xf32> to vector<1x224x96xf32>
    tpu.vector_store %arg3[%swap3A_223, %swap3A_224, %swap3A_225], %swap3A_228 {strides = array<i32>} : memref<1x7168x96xf32, #tpu.memory_space<vmem>>, vector<1x224x96xf32>,
    %slice3A_229 = vector.extract_strided_slice %slice3A_5 {offsets = [25, 0], sizes = [1, 96], strides = [1, 1]} : vector<32x96xf32> to vector<1x96xf32>
    %add3A_230 = vector.broadcast %slice3A_229 : vector<1x96xf32> to vector<224x96xf32>
    %add3A_231 = arith.addf %add3A_230, %slice3A : vector<224x96xf32>
    %swap3A_232 = arith.constant 0 : index
    %swap3A_233 = arith.constant 5600 : index
    %swap3A_234 = arith.constant 0 : index
    %swap3A_235 = vector.load %arg3[%swap3A_232, %swap3A_233, %swap3A_234] : memref<1x7168x96xf32, #tpu.memory_space<vmem>>, vector<1x224x96xf32>
    %swap3A_236 = vector.shape_cast %swap3A_235 : vector<1x224x96xf32> to vector<224x96xf32>
    %swap3A_237 = vector.shape_cast %add3A_231 : vector<224x96xf32> to vector<1x224x96xf32>
    tpu.vector_store %arg3[%swap3A_232, %swap3A_233, %swap3A_234], %swap3A_237 {strides = array<i32>} : memref<1x7168x96xf32, #tpu.memory_space<vmem>>, vector<1x224x96xf32>,
    %slice3A_238 = vector.extract_strided_slice %slice3A_5 {offsets = [26, 0], sizes = [1, 96], strides = [1, 1]} : vector<32x96xf32> to vector<1x96xf32>
    %add3A_239 = vector.broadcast %slice3A_238 : vector<1x96xf32> to vector<224x96xf32>
    %add3A_240 = arith.addf %add3A_239, %slice3A : vector<224x96xf32>
    %swap3A_241 = arith.constant 0 : index
    %swap3A_242 = arith.constant 5824 : index
    %swap3A_243 = arith.constant 0 : index
    %swap3A_244 = vector.load %arg3[%swap3A_241, %swap3A_242, %swap3A_243] : memref<1x7168x96xf32, #tpu.memory_space<vmem>>, vector<1x224x96xf32>
    %swap3A_245 = vector.shape_cast %swap3A_244 : vector<1x224x96xf32> to vector<224x96xf32>
    %swap3A_246 = vector.shape_cast %add3A_240 : vector<224x96xf32> to vector<1x224x96xf32>
    tpu.vector_store %arg3[%swap3A_241, %swap3A_242, %swap3A_243], %swap3A_246 {strides = array<i32>} : memref<1x7168x96xf32, #tpu.memory_space<vmem>>, vector<1x224x96xf32>,
    %slice3A_247 = vector.extract_strided_slice %slice3A_5 {offsets = [27, 0], sizes = [1, 96], strides = [1, 1]} : vector<32x96xf32> to vector<1x96xf32>
    %add3A_248 = vector.broadcast %slice3A_247 : vector<1x96xf32> to vector<224x96xf32>
    %add3A_249 = arith.addf %add3A_248, %slice3A : vector<224x96xf32>
    %swap3A_250 = arith.constant 0 : index
    %swap3A_251 = arith.constant 6048 : index
    %swap3A_252 = arith.constant 0 : index
    %swap3A_253 = vector.load %arg3[%swap3A_250, %swap3A_251, %swap3A_252] : memref<1x7168x96xf32, #tpu.memory_space<vmem>>, vector<1x224x96xf32>
    %swap3A_254 = vector.shape_cast %swap3A_253 : vector<1x224x96xf32> to vector<224x96xf32>
    %swap3A_255 = vector.shape_cast %add3A_249 : vector<224x96xf32> to vector<1x224x96xf32>
    tpu.vector_store %arg3[%swap3A_250, %swap3A_251, %swap3A_252], %swap3A_255 {strides = array<i32>} : memref<1x7168x96xf32, #tpu.memory_space<vmem>>, vector<1x224x96xf32>,
    %slice3A_256 = vector.extract_strided_slice %slice3A_5 {offsets = [28, 0], sizes = [1, 96], strides = [1, 1]} : vector<32x96xf32> to vector<1x96xf32>
    %add3A_257 = vector.broadcast %slice3A_256 : vector<1x96xf32> to vector<224x96xf32>
    %add3A_258 = arith.addf %add3A_257, %slice3A : vector<224x96xf32>
    %swap3A_259 = arith.constant 0 : index
    %swap3A_260 = arith.constant 6272 : index
    %swap3A_261 = arith.constant 0 : index
    %swap3A_262 = vector.load %arg3[%swap3A_259, %swap3A_260, %swap3A_261] : memref<1x7168x96xf32, #tpu.memory_space<vmem>>, vector<1x224x96xf32>
    %swap3A_263 = vector.shape_cast %swap3A_262 : vector<1x224x96xf32> to vector<224x96xf32>
    %swap3A_264 = vector.shape_cast %add3A_258 : vector<224x96xf32> to vector<1x224x96xf32>
    tpu.vector_store %arg3[%swap3A_259, %swap3A_260, %swap3A_261], %swap3A_264 {strides = array<i32>} : memref<1x7168x96xf32, #tpu.memory_space<vmem>>, vector<1x224x96xf32>,
    %slice3A_265 = vector.extract_strided_slice %slice3A_5 {offsets = [29, 0], sizes = [1, 96], strides = [1, 1]} : vector<32x96xf32> to vector<1x96xf32>
    %add3A_266 = vector.broadcast %slice3A_265 : vector<1x96xf32> to vector<224x96xf32>
    %add3A_267 = arith.addf %add3A_266, %slice3A : vector<224x96xf32>
    %swap3A_268 = arith.constant 0 : index
    %swap3A_269 = arith.constant 6496 : index
    %swap3A_270 = arith.constant 0 : index
    %swap3A_271 = vector.load %arg3[%swap3A_268, %swap3A_269, %swap3A_270] : memref<1x7168x96xf32, #tpu.memory_space<vmem>>, vector<1x224x96xf32>
    %swap3A_272 = vector.shape_cast %swap3A_271 : vector<1x224x96xf32> to vector<224x96xf32>
    %swap3A_273 = vector.shape_cast %add3A_267 : vector<224x96xf32> to vector<1x224x96xf32>
    tpu.vector_store %arg3[%swap3A_268, %swap3A_269, %swap3A_270], %swap3A_273 {strides = array<i32>} : memref<1x7168x96xf32, #tpu.memory_space<vmem>>, vector<1x224x96xf32>,
    %slice3A_274 = vector.extract_strided_slice %slice3A_5 {offsets = [30, 0], sizes = [1, 96], strides = [1, 1]} : vector<32x96xf32> to vector<1x96xf32>
    %add3A_275 = vector.broadcast %slice3A_274 : vector<1x96xf32> to vector<224x96xf32>
    %add3A_276 = arith.addf %add3A_275, %slice3A : vector<224x96xf32>
    %swap3A_277 = arith.constant 0 : index
    %swap3A_278 = arith.constant 6720 : index
    %swap3A_279 = arith.constant 0 : index
    %swap3A_280 = vector.load %arg3[%swap3A_277, %swap3A_278, %swap3A_279] : memref<1x7168x96xf32, #tpu.memory_space<vmem>>, vector<1x224x96xf32>
    %swap3A_281 = vector.shape_cast %swap3A_280 : vector<1x224x96xf32> to vector<224x96xf32>
    %swap3A_282 = vector.shape_cast %add3A_276 : vector<224x96xf32> to vector<1x224x96xf32>
    tpu.vector_store %arg3[%swap3A_277, %swap3A_278, %swap3A_279], %swap3A_282 {strides = array<i32>} : memref<1x7168x96xf32, #tpu.memory_space<vmem>>, vector<1x224x96xf32>,
    %slice3A_283 = vector.extract_strided_slice %slice3A_5 {offsets = [31, 0], sizes = [1, 96], strides = [1, 1]} : vector<32x96xf32> to vector<1x96xf32>
    %add3A_284 = vector.broadcast %slice3A_283 : vector<1x96xf32> to vector<224x96xf32>
    %add3A_285 = arith.addf %add3A_284, %slice3A : vector<224x96xf32>
    %swap3A_286 = arith.constant 0 : index
    %swap3A_287 = arith.constant 6944 : index
    %swap3A_288 = arith.constant 0 : index
    %swap3A_289 = vector.load %arg3[%swap3A_286, %swap3A_287, %swap3A_288] : memref<1x7168x96xf32, #tpu.memory_space<vmem>>, vector<1x224x96xf32>
    %swap3A_290 = vector.shape_cast %swap3A_289 : vector<1x224x96xf32> to vector<224x96xf32>
    %swap3A_291 = vector.shape_cast %add3A_285 : vector<224x96xf32> to vector<1x224x96xf32>
    tpu.vector_store %arg3[%swap3A_286, %swap3A_287, %swap3A_288], %swap3A_291 {strides = array<i32>} : memref<1x7168x96xf32, #tpu.memory_space<vmem>>, vector<1x224x96xf32>,
    return
  }
  func.func @transform_0(%arg0: i32) -> (i32, i32) {
    %c0_i32 = arith.constant 0 : i32
    %c0_i32_0 = arith.constant 0 : i32
    %c0_i32_1 = arith.constant 0 : i32
    return %c0_i32, %c0_i32_0 : i32, i32
  }
  func.func @transform_1(%arg0: i32) -> (i32, i32) {
    %c0_i32 = arith.constant 0 : i32
    %c0_i32_0 = arith.constant 0 : i32
    return %arg0, %c0_i32 : i32, i32
  }
  func.func @transform_2(%arg0: i32) -> (i32, i32, i32) {
    %c0_i32 = arith.constant 0 : i32
    %c0_i32_0 = arith.constant 0 : i32
    %c0_i32_1 = arith.constant 0 : i32
    return %c0_i32, %arg0, %c0_i32_0 : i32, i32, i32
  }
}

</mosaic_0001>

<sc_bundles>
// kernel: kernel.4.cloned.1.call-start
scs
__scs_entry_jumppad:
0x0: {  	(pc) =	sbr.rel $0x88, $3  }
0x1: {  	(tag) =	ssettag $0x0;
	lr =	simm.s32 $0x1  }
0x2: {  	[smem:$0x3FA0] =	sst lr;
	_ =	strace $0xD0000000  }
0x3: {  	_ = 	snop  }
0x4: {  	_ = 	snop  }
0x5: {  	_ = 	snop  }
0x6: {  	_ = 	snop  }
0x7: {  	_ = 	snop  }
__scs_overlays_trampoline_lowered:
0x8: {  	[smem:$0x3FAF] =	sst s0  }
0x9: {  	[smem:$0x3FB0] =	sst s1  }
0xa: {  	[smem:$0x3FB1] =	sst s2  }
0xb: {  	[smem:$0x3FB2] =	sst s3  }
0xc: {  	[smem:$0x3FB3] =	sst s4  }
0xd: {  	[smem:$0x3FB4] =	sst s5  }
0xe: {  	[smem:$0x3FB5] =	sst s6  }
0xf: {  	[smem:$0x3FB6] =	sst s7  }
0x10: {  	[smem:$0x3FB7] =	sst s8  }
0x11: {  	[smem:$0x3FB8] =	sst s9;
	s0 =	simm.s32 @!p0 $0x0  }
0x12: {  	s1 =	sld [smem:$0x3F9E];
	s0 =	simm.s32 @p0 $0x1  }
0x13: {  	[smem:$0x3FB9] =	sst s0;
	s0 =	simm.s32 @!p1 $0x0  }
0x14: {  	s2 =	sld [smem:$0x3F9D];
	s0 =	simm.s32 @p1 $0x1  }
0x15: {  	[smem:$0x3FBA] =	sst s0;
	s0 =	simm.s32 @!p2 $0x0  }
0x16: {  	s3 =	sld [smem:$0x3FDB];
	s0 =	simm.s32 @p2 $0x1  }
0x17: {  	s4 =	simm.s32 $0x1BF5;
	[smem:$0x3FBC] =	sst s0  }
0x18: {  	s0 =	sld [smem:$0x3F9F];
	_ =	swait.ge [sflag:s4], $0x0  }
0x19: {  	s7 =	sld [smem:$0x3FA0]  }
0x1a: {  	s8 =	sadd.s32 $0xFFFFE003, lr  }
0x1b: {  	s9 =	sadd.s32 $0xFFFFFEF7, lr;
	s5 =	simm.s32 $0xFFFFFFFF;
	p2 =	slt.u32 s8, $0xFFFFF086  }
0x1c: {  	p1 =	slt.u32 s9, $0xF7A;
	s5 =	simm.s32 @!p2 $0x0  }
0x1d: {  	s5 =	simm.s32 @p1 $0x1;
	p0 =	seq.s32 s7, s2  }
0x1e: {  	s7 =	smul.u32 @!p0 $0xF7A, s2;
	p2 =	seq.s32 @!p0 s5, $0x0  }
0x1f: {  	s9 =	smul.u32 $0xF7A, s1;
	s8 =	simm.s32 @!p0 $0x1BF5;
	p2 =	por !p2, p0  }
0x20: {  	[sflag:s8] =	ssyncset.s32 @!p0 $0xFFFFF086;
	s6 =	sadd.s32 @!p0 s3, s7;
	s7 =	simm.s32 @!p0 $0x108  }
0x21: {  	s3 =	sadd.s32 s3, s9;
	s6 =	sadd.s32 @!p0 $0x88, s6;
	s7 =	simm.s32 @p2 $0x1082  }
0x22: {  	[simem:s7], [sflag:s8] =	dma.local @!p0 [hbm:s6], $0xF7A  }
0x23: {  	s9 =	sor.u32 $0xD0000000, s2;
	s6 =	simm.s32 $0x108;
	_ =	swait.ge @!p0 [sflag:s8], $0x0  }
0x24: {  	s3 =	sadd.s32 $0x88, s3;
	s6 =	simm.s32 @!p1 $0x1082;
	[sflag:s4] =	ssyncset.s32 $0xFFFFF086  }
0x25: {  	[simem:s6], [sflag:s4] =	dma.local [hbm:s3], $0xF7A  }
0x26: {  	[smem:$0x3FA0] =	sst s1;
	(tag) =	ssettag s2;
	_ =	strace s9  }
0x27: {  	s1 =	sld [smem:$0x3FB0]  }
0x28: {  	s2 =	sld [smem:$0x3FB1]  }
0x29: {  	s4 =	sld [smem:$0x3FB3]  }
0x2a: {  	p0 =	seq.s32 s5, $0x0;
	s5 =	sld [smem:$0x3FB4]  }
0x2b: {  	s6 =	sld [smem:$0x3FB5]  }
0x2c: {  	s7 =	sld [smem:$0x3FB6]  }
0x2d: {  	s3 =	simm.s32 $0x108;
	s8 =	sld [smem:$0x3FB7]  }
0x2e: {  	s3 =	simm.s32 @!p0 $0x1082;
	s9 =	sld [smem:$0x3FB8]  }
0x2f: {  	lr =	sadd.s32 s0, s3;
	s0 =	sld [smem:$0x3FAF]  }
0x30: {  	s3 =	sld [smem:$0x3FB2]  }
0x31: {  	[smem:$0x3FBB] =	sst s10  }
0x32: {  	s10 =	sld [smem:$0x3FB9];
	_ =	sdelay $0x3  }
0x33: {  	p0 =	seq.s32 s10, $0x1;
	s10 =	sld [smem:$0x3FBB];
	_ =	sdelay $0x3  }
0x34: {  	[smem:$0x3FBB] =	sst s10  }
0x35: {  	s10 =	sld [smem:$0x3FBA];
	_ =	sdelay $0x3  }
0x36: {  	p1 =	seq.s32 s10, $0x1;
	s10 =	sld [smem:$0x3FBB];
	_ =	sdelay $0x3  }
0x37: {  	[smem:$0x3FBB] =	sst s10  }
0x38: {  	s10 =	sld [smem:$0x3FBC]  }
0x39: {  	_ = 	snop;
	(pc) =	sbr.ind lr, $3  }
0x3a: {  	_ = 	snop  }
0x3b: {  	_ = 	snop  }
0x3c: {  	p2 =	seq.s32 s10, $0x1;
	s10 =	sld [smem:$0x3FBB]  }
0x3d: {  	_ =	shalt  }
0x3e: {  	_ =	shalt  }
0x3f: {  	_ =	shalt  }
0x40: {  	_ =	shalt  }
0x41: {  	_ =	shalt  }
0x42: {  	_ =	shalt  }
0x43: {  	_ =	shalt  }
0x44: {  	_ =	shalt  }
0x45: {  	_ =	shalt  }
0x46: {  	_ =	shalt  }
0x47: {  	_ =	shalt  }
0x48: {  	_ =	shalt  }
0x49: {  	_ =	shalt  }
0x4a: {  	_ =	shalt  }
0x4b: {  	_ =	shalt  }
0x4c: {  	_ =	shalt  }
0x4d: {  	_ =	shalt  }
0x4e: {  	_ =	shalt  }
0x4f: {  	_ =	shalt  }
0x50: {  	_ =	shalt  }
0x51: {  	_ =	shalt  }
0x52: {  	_ =	shalt  }
0x53: {  	_ =	shalt  }
0x54: {  	_ =	shalt  }
0x55: {  	_ =	shalt  }
0x56: {  	_ =	shalt  }
0x57: {  	_ =	shalt  }
0x58: {  	_ =	shalt  }
0x59: {  	_ =	shalt  }
0x5a: {  	_ =	shalt  }
0x5b: {  	_ =	shalt  }
0x5c: {  	_ =	shalt  }
0x5d: {  	_ =	shalt  }
0x5e: {  	_ =	shalt  }
0x5f: {  	_ =	shalt  }
0x60: {  	_ =	shalt  }
0x61: {  	_ =	shalt  }
0x62: {  	_ =	shalt  }
0x63: {  	_ =	shalt  }
0x64: {  	_ =	shalt  }
0x65: {  	_ =	shalt  }
0x66: {  	_ =	shalt  }
0x67: {  	_ =	shalt  }
0x68: {  	_ =	shalt  }
0x69: {  	_ =	shalt  }
0x6a: {  	_ =	shalt  }
0x6b: {  	_ =	shalt  }
0x6c: {  	_ =	shalt  }
0x6d: {  	_ =	shalt  }
0x6e: {  	_ =	shalt  }
0x6f: {  	_ =	shalt  }
0x70: {  	_ =	shalt  }
0x71: {  	_ =	shalt  }
0x72: {  	_ =	shalt  }
0x73: {  	_ =	shalt  }
0x74: {  	_ =	shalt  }
0x75: {  	_ =	shalt  }
0x76: {  	_ =	shalt  }
0x77: {  	_ =	shalt  }
0x78: {  	_ =	shalt  }
0x79: {  	_ =	shalt  }
0x7a: {  	_ =	shalt  }
0x7b: {  	_ =	shalt  }
0x7c: {  	_ =	shalt  }
0x7d: {  	_ =	shalt  }
0x7e: {  	_ =	shalt  }
0x7f: {  	_ =	shalt  }
0x80: {  	_ =	shalt  }
0x81: {  	_ =	shalt  }
0x82: {  	_ =	shalt  }
0x83: {  	_ =	shalt  }
0x84: {  	_ =	shalt  }
0x85: {  	_ =	shalt  }
0x86: {  	_ =	shalt  }
0x87: {  	_ =	shalt  }
.Lfunc_end0:
.L_simem_size_0:
called_computation_lowered:
.L_overlay_start_0:
0x88: {  	s0 =	sld [smem:$0x3FD9]  }
0x89: {  	s1 =	sld [smem:$0x3FFE];
	_ =	sdelay $0x3  }
0x8a: {  	s0 =	sadd.s32 s1, s0  }
0x8b: {  	[smem:$0x3FC7] =	sst s0  }
0x8c: {  	_ = 	snop  }
0x8d: {  	s0 =	sld [smem:$0x3FD0];
	(tm) =	ssettm $0x1  }
0x8e: {  	s16 =	sld [smem:$0x3FFB];
	_ =	sdelay $0x3  }
0x8f: {  	_ =	strace s16  }
0x90: {  	s1 =	sld [smem:$0x3FFC];
	_ =	sdelay $0x3  }
0x91: {  	_ =	strace s1  }
0x92: {  	s1 =	sld [smem:$0x3FFD];
	_ =	sdelay $0x3  }
0x93: {  	_ =	strace s1  }
0x94: {  	_ =	strace $0x8FFFFFFF  }
0x95: {  	s17 =	sld [smem:$0x3FDB];
	_ =	sdelay $0x1  }
0x96: {  	s2 =	simm.s32 $_scs_section_size  }
0x97: {  	s3 =	simm.s32 $_size__tile_overlayer_lowered;
	s4 =	simm.s32 $_tile_overlayer_lowered  }
0x98: {  	s20 =	simm.s32 $0x1BFF;
	s19 =	sshll.u32 s4, $0x1;
	s1 =	sadd.s32 s2, s17  }
0x99: {  	s5 =	simm.s32 $0x0;
	s18 =	sshll.u32 s3, $0x1;
	s3 =	sadd.s32 s19, s1  }
0x9a: {  	[timem:s5], [sflag:s20] =	dma.local [hbm:s3], s18  }
0x9b: {  	_ =	swait.ge [sflag:s20], s18  }
0x9c: {  	s2 =	ssub.s32 $0x0, s18;
	[sflag:s20] =	ssyncset.done $0x0  }
0x9d: {  	[sflag:s20] =	ssyncadd.s32 s2;
	_ =	sdelay $0x1  }
0x9e: {  	s21 =	simm.s32 $0x1B8B  }
0x9f: {  	_ =	swait.ge [sflag:s21], $0x1  }
0xa0: {  	[sflag:s21] =	ssyncset.done $0x0  }
0xa1: {  	s23 =	simm.s32 $0x1B8E;
	s22 =	sld [smem:$0x3FFE];
	[sflag:s21] =	ssyncadd.s32 $0xFFFFFFFF  }
0xa2: {  	s24 =	simm.s32 $execute0_lowered;
	[smem:$0x3FD2] =	sst s23  }
0xa3: {  	s3 =	sshll.u32 s24, $0x1;
	_ =	strace $0x80000046;
	[dreg:$0x1] =	wrdreg $0xFFFFFFFF  }
0xa4: {  	s25 =	simm.s32 $_size_execute0_lowered;
	s1 =	sadd.s32 s1, s3;
	[dreg:$0x0] =	wrdreg $0x0  }
0xa5: {  	s3 =	sshll.u32 s25, $0x1;
	[dreg:$0x2] =	wrdreg s1  }
0xa6: {  	[dreg:$0x3] =	wrdreg s3  }
0xa7: {  	[dreg:$0x4] =	wrdreg $0xC0  }
0xa8: {  	_ =	task [dreg:s5], $0x5FFFF  }
0xa9: {  	[dreg:$0x1] =	wrdreg $0xFFFFFFFF  }
0xaa: {  	[dreg:$0x0] =	wrdreg $0x60  }
0xab: {  	[dreg:$0x2] =	wrdreg s22  }
0xac: {  	[dreg:$0x3] =	wrdreg s0  }
0xad: {  	[dreg:$0x4] =	wrdreg $0x9  }
0xae: {  	_ =	task.clear_ibuf [dreg:s5], $0x5FFFF;
	_ =	strace $0x90000046  }
0xaf: {  	s26 =	simm.s32 $0x9;
	_ =	strace $0x80000048  }
0xb0: {  	_ =	swait.ge [sflag:s26], $0x1  }
0xb1: {  	[sflag:s26] =	ssyncadd.s32 $0xFFFFFFFF  }
0xb2: {  	_ =	strace $0x90000048  }
0xb3: {  	_ =	sfence  }
0xb4: {  	s28 =	sld [smem:$0x0];
	_ =	sdelay $0x1  }
0xb5: {  	s29 =	srdreg.scid  }
0xb6: {  	s30 =	sshll.u32 s29, $0xD;
	s31 =	sshrl.u32 s29, $0x2  }
0xb7: {  	s2 =	sand.u32 $0x4000, s30;
	s1 =	sand.u32 $0x1, s29;
	s0 =	sadd.s32 s31, s28  }
0xb8: {  	s1 =	sor.u32 s2, s1;
	s0 =	sshll.u32 s0, $0x11  }
0xb9: {  	s0 =	sor.u32 s0, s1  }
0xba: {  	s0 =	sadd.s32 $0x8F2B, s0  }
0xbb: {  	[sflag:s0] =	ssyncadd.remote.s32 $0x1  }
0xbc: {  	_ =	sfence.sel $0xFFFF  }
0xbd: {  	[dreg:$0x0] =	wrdreg $0xFFFFFFFF;
	(pc) =	sbr.abs _section_cstart, $3  }
0xbe: {  	[dreg:$0x1] =	wrdreg $0xFFFFFFFF  }
0xbf: {  	_ =	task.clear_ibuf [dreg:s5], $0x2FFFF;
	_ =	strace $0x9FFFFFFF  }
0xc0: {  	(tm) =	ssettm $0x7FFFFFFF  }
0xc1: {  	_ =	shalt  }
tec
execute0_lowered:
.L_overlay_start_1:
0x0: {  	(tag) =	ssettag $0x1  }
0x1: {  	s0 =	rddreg [dreg:$0x0]  }
0x2: {  	s1 =	rddreg [dreg:$0x1];
	s3 =	stileid.u32  }
0x3: {  	s2 =	rddreg [dreg:$0x2];
	_ =	strace $0x80000047;
	p0 =	sne.s32 s3, $0x0  }
0x4: {  	_ =	sfence.sel @p0 $0x180000  }
0x5: {  	[bflag:$0x0] =	sbarrier.arrive @p0 $0xFFFF  }
0x6: {  	_ =	strace @p0 $0x90000047  }
0x7: {  	v0 =	vimm.s32 @!p0 $0x0;
	[bflag:$0x2] =	sbarrier.arrive @p0 $0xFFFF  }
0x8: {  	[tilespmem:$0x0] =	vst @!p0 v0  }
0x9: {  	[tilespmem:$0x10] =	vst @!p0 v0  }
0xa: {  	[tilespmem:$0x20] =	vst @!p0 v0  }
0xb: {  	[tilespmem:$0x30] =	vst @!p0 v0  }
0xc: {  	[tilespmem:$0x40] =	vst @!p0 v0;
	v0 =	vlaneseq.u32 @!p0  }
0xd: {  	[tilespmem:$0x50] =	vst @!p0 v0;
	v1 =	vor.u32 @!p0 $0x10, v0  }
0xe: {  	[tilespmem:$0x60] =	vst @!p0 v1;
	v1 =	vor.u32 @!p0 $0x20, v0  }
0xf: {  	v0 =	vor.u32 @!p0 $0x30, v0;
	[tilespmem:$0x80] =	vst @!p0 v1  }
0x10: {  	[tilespmem:$0x90] =	vst @!p0 v0;
	v0 =	vimm.s32 @!p0 $0x40  }
0x11: {  	[tilespmem:$0xA0] =	vst @!p0 v0  }
0x12: {  	[tilespmem:$0xB0] =	vst @!p0 v0  }
0x13: {  	[tilespmem:$0xC0] =	vst @!p0 v0  }
0x14: {  	s0 =	sadd.s32 $0x600, s0;
	[tilespmem:$0xD0] =	vst @!p0 v0  }
0x15: {  	s3 =	simm.s32 @!p0 $0x70;
	s4 =	simm.s32 @!p0 $0x0;
	s5 =	simm.s32 @!p0 $0x100;
	[tilespmem:$0xE0] =	vst @!p0 v0  }
0x16: {  	[tilespmem:s5], [sflag:$0x1] =	stream.indirect.gather @!p0 [hbm4b:s0+s3], $0x80, s4, s3, $0xb8;
	[tilespmem:$0x7100] =	vst v63  }
0x17: {  	s6 =	simm.s32 @!p0 $0x80;
	s7 =	simm.s32 @!p0 $0x3900  }
0x18: {  	[tilespmem:s7], [sflag:$0x1] =	stream.indirect.gather @!p0 [hbm4b:s0+s3], $0x80, s6, s3, $0xb8;
	[tilespmem:$0x7100] =	vst v63  }
0x19: {  	s0 =	simm.s32 @!p0 $0x1  }
0x1a: {  	_ =	swait.ge @!p0 [sflag:s0], $0x3800  }
0x1b: {  	[sflag:s0] =	ssyncset.done @!p0 $0x0  }
0x1c: {  	[sflag:s0] =	ssyncadd.s32 @!p0 $0xFFFFC800  }
0x1d: {  	_ =	swait.ge @!p0 [sflag:s0], $0x3800  }
0x1e: {  	[sflag:s0] =	ssyncset.done @!p0 $0x0  }
0x1f: {  	[sflag:s0] =	ssyncadd.s32 @!p0 $0xFFFFC800;
	s0 =	simm.s32 @!p0 $0x2  }
0x20: {  	[hbm4b:s1+s4] =	stream.linear.scatter @!p0 [tilespmem:s5], [sflag:$0x2], $0x7000, $0x38;
	[tilespmem:$0x7100] =	vst v63  }
0x21: {  	_ =	swait.ge @!p0 [sflag:s0], $0x7000  }
0x22: {  	[sflag:s0] =	ssyncset.done @!p0 $0x0  }
0x23: {  	[sflag:s0] =	ssyncadd.s32 @!p0 $0xFFFF9000  }
0x24: {  	_ =	sfence.sel @!p0 $0x180000  }
0x25: {  	[bflag:$0x0] =	sbarrier.arrive @!p0 $0xFFFF  }
0x26: {  	_ =	strace @!p0 $0x90000047  }
0x27: {  	s0 =	sadd.s32 @!p0 $0x100000, s2;
	[bflag:$0x2] =	sbarrier.arrive @!p0 $0xFFFF  }
0x28: {  	[sflag:s0] =	ssyncadd.tile.s32 @!p0 $0x1;
	_ =	shalt  }
.Lfunc_end2:
_tile_overlayer_lowered:
.L_overlay_start_2:
0x29: {  	(tag) =	ssettag $0x2  }
0x2a: {  	s0 =	rddreg [dreg:$0x0];
	s2 =	stileid.u32  }
0x2b: {  	s1 =	rddreg [dreg:$0x1];
	p0 =	sne.s32 s2, $0x0  }
0x2c: {  	s3 =	rddreg [dreg:$0x2];
	[bflag:$0x3] =	sbarrier.arrive $0xFFFF;
	s2 =	simm.s32 @!p0 $0x1C02  }
0x2d: {  	[timem:s3], [sflag:s2] =	dma.local @!p0 [hbm:s0], s1  }
0x2e: {  	s0 =	simm.s32 @!p0 $0x2  }
0x2f: {  	_ =	swait.ge @!p0 [sflag:s0], s1  }
0x30: {  	s1 =	ssub.s32 @!p0 $0x0, s1;
	[sflag:s0] =	ssyncset.done @!p0 $0x0  }
0x31: {  	[sflag:s0] =	ssyncadd.s32 @!p0 s1  }
0x32: {  	[bflag:$0x3] =	sbarrier.arrive $0xFFFF  }
0x33: {  	_ =	shalt  }

</sc_bundles>
